<compile_context>
chip_gen: v7x
topology: tpu7x:2x2x1
jax: 0.10.2.dev20260603
libtpu: 0.0.44.dev20260713+nightly
codegen_flags: <defaults>
</compile_context>

<pallas_src>
import functools

import jax
import jax.numpy as jnp
from jax.experimental import pallas as pl
from jax.experimental.pallas import tpu as pltpu
from jax.experimental.pallas import tpu_sc as plsc

V = 50265
D = 1024
E = 8
K = 5
DFF = 1024
B = 1
S = 2048

BF = jnp.bfloat16
F32 = jnp.float32

_NC = 2
_NS = 16
_NW = _NC * _NS


def _sc_row_gather(table, idx, n_split):
    n, d = len(idx), table.shape[1]
    bpw = n // _NW
    sub = bpw // n_split
    mesh = plsc.VectorSubcoreMesh(core_axis_name="c", subcore_axis_name="s")

    @functools.partial(
        pl.kernel,
        mesh=mesh,
        out_type=jax.ShapeDtypeStruct((n, d), table.dtype),
        scratch_types=[
            pltpu.VMEM((sub,), jnp.int32),
            pltpu.VMEM((sub, d), table.dtype),
            pltpu.SemaphoreType.DMA,
        ],
    )
    def k(tab_hbm, idx_hbm, out_hbm, idx_v, rows_v, sem):
        wid = jax.lax.axis_index("s") * _NC + jax.lax.axis_index("c")

        @pl.loop(0, n_split)
        def _(i):
            base = wid * bpw + i * sub
            pltpu.sync_copy(idx_hbm.at[pl.ds(base, sub)], idx_v)
            pltpu.async_copy(tab_hbm.at[idx_v], rows_v, sem).wait()
            pltpu.sync_copy(rows_v, out_hbm.at[pl.ds(base, sub)])

    return k(table, idx)


def _embed_body(g_ref, p_ref, t_ref, gam_ref, bet_ref, o_ref):
    h = g_ref[...] + p_ref[...] + t_ref[...]
    m = jnp.mean(h, axis=-1, keepdims=True)
    v = jnp.mean((h - m) ** 2, axis=-1, keepdims=True)
    x = (h - m) / jnp.sqrt(v + 1e-5) * gam_ref[...] + bet_ref[...]
    o_ref[...] = x.astype(BF).astype(F32)


def _embed_finish(gathered, pos, type_emb, gamma, beta):
    tb = 256
    return pl.pallas_call(
        _embed_body,
        grid=(S // tb,),
        in_specs=[
            pl.BlockSpec((tb, D), lambda i: (i, 0)),
            pl.BlockSpec((tb, D), lambda i: (i, 0)),
            pl.BlockSpec((1, D), lambda i: (0, 0)),
            pl.BlockSpec((1, D), lambda i: (0, 0)),
            pl.BlockSpec((1, D), lambda i: (0, 0)),
        ],
        out_specs=pl.BlockSpec((tb, D), lambda i: (i, 0)),
        out_shape=jax.ShapeDtypeStruct((S, D), F32),
    )(gathered, pos, type_emb, gamma.reshape(1, D), beta.reshape(1, D))


def _moe_body(x_ref, gate_ref, w1_ref, b1_ref, w2_ref, b2_ref, o_ref,
              wsel_ref, acc_ref):
    e = pl.program_id(0)

    @pl.when(e == 0)
    def _():
        l = jnp.dot(x_ref[...], gate_ref[...], preferred_element_type=F32)
        rank = jnp.zeros((S, E), dtype=jnp.int32)
        eidx = jax.lax.broadcasted_iota(jnp.int32, (S, E), 1)
        for j in range(E):
            lj = l[:, j:j + 1]
            beats = (lj > l) | ((lj == l) & (j < eidx))
            rank = rank + beats.astype(jnp.int32)
        sel = rank < K
        lm = jnp.where(sel, l, -jnp.inf)
        mx = jnp.max(lm, axis=1, keepdims=True)
        ex = jnp.where(sel, jnp.exp(l - mx), 0.0)
        wsel_ref[...] = (ex / jnp.sum(ex, axis=1, keepdims=True)).astype(BF)
        acc_ref[...] = jnp.zeros_like(acc_ref)

    ch = 512
    for c in range(S // ch):
        sl = pl.ds(c * ch, ch)
        h = jnp.dot(x_ref[sl, :], w1_ref[0], preferred_element_type=F32)
        h = jax.nn.gelu(h + b1_ref[0])
        y = jnp.dot(h, w2_ref[0], preferred_element_type=F32)
        y = (y + b2_ref[0]).astype(BF).astype(F32)
        eidx2 = jax.lax.broadcasted_iota(jnp.int32, (ch, E), 1)
        w_e = jnp.sum(
            jnp.where(eidx2 == e, wsel_ref[sl, :].astype(F32), 0.0),
            axis=1, keepdims=True)
        acc_ref[sl, :] += y * w_e

    @pl.when(e == E - 1)
    def _():
        o_ref[...] = acc_ref[...].astype(BF).astype(F32)


def _moe_block(x, gate, w1, b1, w2, b2):
    return pl.pallas_call(
        _moe_body,
        grid=(E,),
        in_specs=[
            pl.BlockSpec((S, D), lambda e: (0, 0)),
            pl.BlockSpec((D, E), lambda e: (0, 0)),
            pl.BlockSpec((1, D, DFF), lambda e: (e, 0, 0)),
            pl.BlockSpec((1, 1, DFF), lambda e: (e, 0, 0)),
            pl.BlockSpec((1, DFF, D), lambda e: (e, 0, 0)),
            pl.BlockSpec((1, 1, D), lambda e: (e, 0, 0)),
        ],
        out_specs=pl.BlockSpec((S, D), lambda e: (0, 0)),
        out_shape=jax.ShapeDtypeStruct((S, D), F32),
        scratch_shapes=[
            pltpu.VMEM((S, E), BF),
            pltpu.VMEM((S, D), F32),
        ],
    )(x, gate, w1, b1.reshape(E, 1, DFF), w2, b2.reshape(E, 1, D))


_VT = 1024
_NV = (V + _VT - 1) // _VT


def _lm_body(x_ref, w_ref, b_ref, sc_ref, m_out, s_out, m_ref, s_ref):
    v = pl.program_id(0)
    ch = 512

    def tile(c, masked):
        sl = pl.ds(c * ch, ch)
        sc = jax.lax.dot_general(
            w_ref[...], x_ref[sl, :],
            dimension_numbers=(((1,), (1,)), ((), ())),
            preferred_element_type=F32)
        sc = sc + b_ref[...]
        sc_ref[:, sl] = sc
        if masked:
            row = jax.lax.broadcasted_iota(jnp.int32, (_VT, ch), 0) + v * _VT
            scm = jnp.where(row < V, sc, -jnp.inf)
        else:
            scm = sc
        tmax = jnp.max(scm, axis=0, keepdims=True)

        @pl.when(v == 0)
        def _():
            m_ref[:, sl] = tmax
            s_ref[:, sl] = jnp.sum(jnp.exp(scm - tmax), axis=0, keepdims=True)

        @pl.when(v > 0)
        def _():
            m_old = m_ref[:, sl]
            m_new = jnp.maximum(m_old, tmax)
            s_ref[:, sl] = (s_ref[:, sl] * jnp.exp(m_old - m_new)
                            + jnp.sum(jnp.exp(scm - m_new), axis=0,
                                      keepdims=True))
            m_ref[:, sl] = m_new

    @pl.when(v < _NV - 1)
    def _():
        for c in range(S // ch):
            tile(c, masked=False)

    @pl.when(v == _NV - 1)
    def _():
        for c in range(S // ch):
            tile(c, masked=True)
        m_out[...] = m_ref[...]
        s_out[...] = s_ref[...]


def _lm_head(x, lm_w, lm_b):
    return pl.pallas_call(
        _lm_body,
        grid=(_NV,),
        in_specs=[
            pl.BlockSpec((S, D), lambda v: (0, 0)),
            pl.BlockSpec((_VT, D), lambda v: (v, 0)),
            pl.BlockSpec((_VT, 1), lambda v: (v, 0)),
        ],
        out_specs=[
            pl.BlockSpec((_VT, S), lambda v: (v, 0)),
            pl.BlockSpec((1, S), lambda v: (0, 0)),
            pl.BlockSpec((1, S), lambda v: (0, 0)),
        ],
        out_shape=[
            jax.ShapeDtypeStruct((V, S), F32),
            jax.ShapeDtypeStruct((1, S), F32),
            jax.ShapeDtypeStruct((1, S), F32),
        ],
        scratch_shapes=[
            pltpu.VMEM((1, S), F32),
            pltpu.VMEM((1, S), F32),
        ],
    )(x, lm_w.T, lm_b.reshape(V, 1))


def _loss_body(g_ref, m_ref, s_ref, loss_ref):
    ch = 512
    acc = jnp.zeros((1, ch), F32)
    for c in range(S // ch):
        sl = pl.ds(c * ch, ch)
        col = jax.lax.broadcasted_iota(jnp.int32, (ch, ch), 1) + c * ch
        trow = jax.lax.broadcasted_iota(jnp.int32, (ch, ch), 0) + c * ch
        lab = jnp.sum(jnp.where(col == trow, g_ref[sl, sl], 0.0),
                      axis=0, keepdims=True)
        lse = jnp.log(s_ref[:, sl]) + m_ref[:, sl]
        acc = acc + (lse - lab)
    loss_ref[...] = (jnp.sum(acc) / S).reshape(1, 1)


def _loss_kernel(gathered_rows, m, s):
    return pl.pallas_call(
        _loss_body,
        grid=(1,),
        in_specs=[
            pl.BlockSpec((S, S), lambda i: (0, 0)),
            pl.BlockSpec((1, S), lambda i: (0, 0)),
            pl.BlockSpec((1, S), lambda i: (0, 0)),
        ],
        out_specs=pl.BlockSpec((1, 1), lambda i: (0, 0)),
        out_shape=jax.ShapeDtypeStruct((1, 1), F32),
    )(gathered_rows, m, s)


def kernel(input_ids, labels, word_emb, pos_emb, type_emb, emb_ln_g, emb_ln_b,
           gate0, w1_0, b1_0, w2_0, b2_0, gate1, w1_1, b1_1, w2_1, b2_1,
           lm_w, lm_b):
    gathered = _sc_row_gather(word_emb, input_ids.reshape(S).astype(jnp.int32),
                              n_split=1)
    pos = jax.lax.slice(pos_emb, (2, 0), (2 + S, D))
    x = _embed_finish(gathered, pos, type_emb, emb_ln_g, emb_ln_b)
    x = _moe_block(x, gate0, w1_0, b1_0, w2_0, b2_0)
    x = _moe_block(x, gate1, w1_1, b1_1, w2_1, b2_1)
    scores_t, m, s = _lm_head(x, lm_w, lm_b)
    lab_rows = _sc_row_gather(scores_t, labels.reshape(S).astype(jnp.int32),
                              n_split=2)
    loss = _loss_kernel(lab_rows, m, s)
    return loss.reshape(()), scores_t.T.reshape(B, S, V)

# --- scband reference (transcript-rebuilt; emitter-appended) ---
"""Pipeline reference for scband-trainer-model-16664473108826 (READ-ONLY COPY).

The authoritative reference and input builder live on the scoring server;
editing this copy changes nothing except your own understanding.
"""

import jax, jax.numpy as jnp
import numpy as np

V = 50265
D = 1024
E = 8
K = 5
DFF = 1024
B = 1
S = 2048
NBLK = 2


def setup_inputs(seed: int = 0) -> dict:
    key = jax.random.key(seed)
    ks = jax.random.split(key, 24)
    inp = {}
    inp['input_ids'] = jax.random.randint(ks[0], (B, S), 0, V)
    inp['labels'] = jax.random.randint(ks[1], (B, S), 0, V)
    inp['word_emb'] = jax.random.normal(ks[2], (V, D), dtype=jnp.float32) * 0.02
    inp['pos_emb'] = jax.random.normal(ks[3], (S + 2, D), dtype=jnp.float32) * 0.02
    inp['type_emb'] = jax.random.normal(ks[4], (1, D), dtype=jnp.float32) * 0.02
    inp['emb_ln_g'] = jnp.ones((D,), dtype=jnp.float32)
    inp['emb_ln_b'] = jnp.zeros((D,), dtype=jnp.float32)
    for i in range(NBLK):
        base = 5 + i * 5
        inp['gate%d' % i] = jax.random.normal(ks[base], (D, E), dtype=jnp.float32) * 0.02
        inp['w1_%d' % i] = jax.random.normal(ks[base + 1], (E, D, DFF), dtype=jnp.float32) * 0.02
        inp['b1_%d' % i] = jnp.zeros((E, DFF), dtype=jnp.float32)
        inp['w2_%d' % i] = jax.random.normal(ks[base + 2], (E, DFF, D), dtype=jnp.float32) * 0.02
        inp['b2_%d' % i] = jnp.zeros((E, D), dtype=jnp.float32)
    inp['lm_w'] = jax.random.normal(ks[20], (D, V), dtype=jnp.float32) * 0.02
    inp['lm_b'] = jnp.zeros((V,), dtype=jnp.float32)
    return inp


def _layer_norm(x, g, b):
    m = x.mean(-1, keepdims=True)
    v = ((x - m) ** 2).mean(-1, keepdims=True)
    return (x - m) / jnp.sqrt(v + 1e-5) * g + b


def _moe_block(x, gate, w1, b1, w2, b2):
    # RemoteMixtureOfExperts: gate over expert grid, pick k_best=5, softmax-weighted combine
    T = x.shape[0]
    logits = x @ gate  # [T, E]
    vals, idx = jax.lax.top_k(logits, K)  # [T, K]
    w = jax.nn.softmax(vals, axis=-1)  # [T, K]
    wmask = jnp.zeros((T, E), dtype=x.dtype).at[jnp.arange(T)[:, None], idx].set(w)
    h = jax.nn.gelu(jnp.einsum('td,edf->tef', x, w1) + b1)
    y = jnp.einsum('tef,efd->ted', h, w2) + b2
    return jnp.einsum('ted,te->td', y, wmask)


def reference(input_ids, labels, word_emb, pos_emb, type_emb, emb_ln_g, emb_ln_b,
              gate0, w1_0, b1_0, w2_0, b2_0,
              gate1, w1_1, b1_1, w2_1, b2_1,
              lm_w, lm_b):
    # RobertaEmbeddings: word + position (offset by padding_idx+1=2) + token_type, then LayerNorm
    pos_ids = jnp.arange(S) + 2
    h = word_emb[input_ids] + pos_emb[pos_ids][None, :, :] + type_emb[0][None, None, :]
    h = _layer_norm(h, emb_ln_g, emb_ln_b)
    x = h.reshape(B * S, D)
    x = _moe_block(x, gate0, w1_0, b1_0, w2_0, b2_0)
    x = _moe_block(x, gate1, w1_1, b1_1, w2_1, b2_1)
    out = x.reshape(B, S, D)
    prediction_scores = out @ lm_w + lm_b  # [B, S, V]
    flat = prediction_scores.reshape(-1, V)
    lab = labels.reshape(-1)
    lse = jax.nn.logsumexp(flat, axis=-1)
    nll = lse - jnp.take_along_axis(flat, lab[:, None], axis=1)[:, 0]
    masked_lm_loss = nll.mean()
    return (masked_lm_loss, prediction_scores)

if __name__ == "__main__":
    import jax
    _d = setup_inputs()
    print(jax.jit(kernel)(*tuple(_d.values())))

</pallas_src>

<mosaic_0001>
#map = affine_map<(d0, d1) -> (0, 0)>
#map1 = affine_map<(d0, d1) -> (0)>
module attributes {stable_mosaic.version = 14 : i64} {
  func.func @k(%arg0: i32, %arg1: i32, %arg2: memref<50265x1024xf32, #tpu.memory_space<hbm>>, %arg3: memref<2048xi32, #tpu.memory_space<hbm>>, %arg4: memref<2048x1024xf32, #tpu.memory_space<hbm>>, %arg5: memref<64xi32, #tpu.memory_space<vmem>>, %arg6: memref<64x1024xf32, #tpu.memory_space<vmem>>, %arg7: memref<!tpu.dma_semaphore, #tpu.memory_space<semaphore_mem>>) attributes {dimension_semantics = [#tpu.dimension_semantics<core_parallel>, #tpu.dimension_semantics<subcore_parallel>], iteration_bounds = array<i64: 2, 16>, scalar_prefetch = 0 : i64, scratch_operands = 3 : i64, tpu.core_type = #tpu.core_type<sc_vector_subcore>, window_params = [{transform_indices = #map}, {transform_indices = #map1}, {transform_indices = #map}]} {
    %mul3A = arith.constant 2 : i32
    %mul3A_0 = arith.muli %arg1, %mul3A : i32
    %add3A = arith.addi %mul3A_0, %arg0 : i32
    %scan3A = arith.constant 0 : i32
    %mul3A_1 = arith.constant 1 : i32
    %mul3A_2 = arith.muli %scan3A, %mul3A_1 : i32
    %add3A_3 = arith.constant 0 : i32
    %add3A_4 = arith.addi %add3A_3, %mul3A_2 : i32
    %mul3A_5 = arith.constant 64 : i32
    %mul3A_6 = arith.muli %add3A, %mul3A_5 : i32
    %mul3A_7 = arith.constant 64 : i32
    %mul3A_8 = arith.muli %add3A_4, %mul3A_7 : i32
    %add3A_9 = arith.addi %mul3A_6, %mul3A_8 : i32
    "tpu.region"() ({
      %run_scoped3A = tpu.sem_alloc : memref<!tpu.dma_semaphore, #tpu.memory_space<semaphore_mem>>
      %dma_start3A_15 = tpu.memref_slice %arg3[%add3A_9] : memref<2048xi32, #tpu.memory_space<hbm>> -> memref<64xi32, #tpu.memory_space<hbm>>
      %dma_start3A_16 = tpu.memref_slice %arg3[%add3A_9] : memref<2048xi32, #tpu.memory_space<hbm>> -> memref<64xi32, #tpu.memory_space<hbm>>
      tpu.enqueue_dma source(%dma_start3A_16 : memref<64xi32, #tpu.memory_space<hbm>>) target(%arg5 : memref<64xi32, #tpu.memory_space<vmem>>) target_semaphore(%run_scoped3A : memref<!tpu.dma_semaphore, #tpu.memory_space<semaphore_mem>>)
      %dma_wait3A_17 = tpu.memref_slice %arg3[%add3A_9] : memref<2048xi32, #tpu.memory_space<hbm>> -> memref<64xi32, #tpu.memory_space<hbm>>
      %dma_wait3A_18 = tpu.memref_slice %arg3[%add3A_9] : memref<2048xi32, #tpu.memory_space<hbm>> -> memref<64xi32, #tpu.memory_space<hbm>>
      tpu.wait_dma2 semaphore(%run_scoped3A : memref<!tpu.dma_semaphore, #tpu.memory_space<semaphore_mem>>) src(%dma_wait3A_18 : memref<64xi32, #tpu.memory_space<hbm>>) dst(%arg5 : memref<64xi32, #tpu.memory_space<vmem>>)
      tpu.yield
    }) : () -> ()
    %dma_start3A = arith.constant 0 : i32
    %dma_start3A_10 = arith.constant 0 : i32
    %dma_start3A_11 = tpu.memref_slice %arg2[%dma_start3A, %dma_start3A_10] : memref<50265x1024xf32, #tpu.memory_space<hbm>> -> memref<50265x1024xf32, #tpu.memory_space<hbm>>
    tpu.enqueue_indirect_dma source(%dma_start3A_11 : memref<50265x1024xf32, #tpu.memory_space<hbm>>) target(%arg6 : memref<64x1024xf32, #tpu.memory_space<vmem>>) offsets(%arg5 : memref<64xi32, #tpu.memory_space<vmem>>) semaphore(%arg7 : memref<!tpu.dma_semaphore, #tpu.memory_space<semaphore_mem>>)
    %dma_wait3A = arith.constant 0 : i32
    %dma_wait3A_12 = arith.constant 0 : i32
    %dma_wait3A_13 = tpu.memref_slice %arg2[%dma_wait3A, %dma_wait3A_12] : memref<50265x1024xf32, #tpu.memory_space<hbm>> -> memref<50265x1024xf32, #tpu.memory_space<hbm>>
    tpu.wait_indirect_dma semaphore(%arg7 : memref<!tpu.dma_semaphore, #tpu.memory_space<semaphore_mem>>) src(%dma_wait3A_13 : memref<50265x1024xf32, #tpu.memory_space<hbm>>) dst(%arg6 : memref<64x1024xf32, #tpu.memory_space<vmem>>)
    "tpu.region"() ({
      %run_scoped3A = tpu.sem_alloc : memref<!tpu.dma_semaphore, #tpu.memory_space<semaphore_mem>>
      %dma_start3A_15 = arith.constant 0 : i32
      %dma_start3A_16 = tpu.memref_slice %arg4[%add3A_9, %dma_start3A_15] : memref<2048x1024xf32, #tpu.memory_space<hbm>> -> memref<64x1024xf32, #tpu.memory_space<hbm>>
      %dma_start3A_17 = arith.constant 0 : i32
      %dma_start3A_18 = tpu.memref_slice %arg4[%add3A_9, %dma_start3A_17] : memref<2048x1024xf32, #tpu.memory_space<hbm>> -> memref<64x1024xf32, #tpu.memory_space<hbm>>
      tpu.enqueue_dma source(%arg6 : memref<64x1024xf32, #tpu.memory_space<vmem>>) target(%dma_start3A_18 : memref<64x1024xf32, #tpu.memory_space<hbm>>) target_semaphore(%run_scoped3A : memref<!tpu.dma_semaphore, #tpu.memory_space<semaphore_mem>>)
      %dma_wait3A_19 = arith.constant 0 : i32
      %dma_wait3A_20 = tpu.memref_slice %arg4[%add3A_9, %dma_wait3A_19] : memref<2048x1024xf32, #tpu.memory_space<hbm>> -> memref<64x1024xf32, #tpu.memory_space<hbm>>
      %dma_wait3A_21 = arith.constant 0 : i32
      %dma_wait3A_22 = tpu.memref_slice %arg4[%add3A_9, %dma_wait3A_21] : memref<2048x1024xf32, #tpu.memory_space<hbm>> -> memref<64x1024xf32, #tpu.memory_space<hbm>>
      tpu.wait_dma2 semaphore(%run_scoped3A : memref<!tpu.dma_semaphore, #tpu.memory_space<semaphore_mem>>) src(%arg6 : memref<64x1024xf32, #tpu.memory_space<vmem>>) dst(%dma_wait3A_22 : memref<64x1024xf32, #tpu.memory_space<hbm>>)
      tpu.yield
    }) : () -> ()
    %scan3A_14 = arith.constant 1 : i32
    return
  }
}

#map = affine_map<(d0, d1) -> (0, 0)>
#map1 = affine_map<(d0, d1) -> (0)>
module attributes {stable_mosaic.version = 14 : i64} {
  func.func @k(%arg0: i32, %arg1: i32, %arg2: memref<50265x2048xf32, #tpu.memory_space<hbm>>, %arg3: memref<2048xi32, #tpu.memory_space<hbm>>, %arg4: memref<2048x2048xf32, #tpu.memory_space<hbm>>, %arg5: memref<32xi32, #tpu.memory_space<vmem>>, %arg6: memref<32x2048xf32, #tpu.memory_space<vmem>>, %arg7: memref<!tpu.dma_semaphore, #tpu.memory_space<semaphore_mem>>) attributes {dimension_semantics = [#tpu.dimension_semantics<core_parallel>, #tpu.dimension_semantics<subcore_parallel>], iteration_bounds = array<i64: 2, 16>, scalar_prefetch = 0 : i64, scratch_operands = 3 : i64, tpu.core_type = #tpu.core_type<sc_vector_subcore>, window_params = [{transform_indices = #map}, {transform_indices = #map1}, {transform_indices = #map}]} {
    %mul3A = arith.constant 2 : i32
    %mul3A_0 = arith.muli %arg1, %mul3A : i32
    %add3A = arith.addi %mul3A_0, %arg0 : i32
    %scan3A = arith.constant 0 : i32
    %scan3A_1 = arith.constant 2 : i32
    %scan3A_2 = arith.addi %scan3A, %scan3A_1 : i32
    %scan3A_3 = arith.constant 1 : i32
    scf.for %scan3A_5 = %scan3A to %scan3A_2 step %scan3A_3  : i32 {
      %mul3A_6 = arith.constant 1 : i32
      %mul3A_7 = arith.muli %scan3A_5, %mul3A_6 : i32
      %add3A_8 = arith.constant 0 : i32
      %add3A_9 = arith.addi %add3A_8, %mul3A_7 : i32
      %mul3A_10 = arith.constant 64 : i32
      %mul3A_11 = arith.muli %add3A, %mul3A_10 : i32
      %mul3A_12 = arith.constant 32 : i32
      %mul3A_13 = arith.muli %add3A_9, %mul3A_12 : i32
      %add3A_14 = arith.addi %mul3A_11, %mul3A_13 : i32
      "tpu.region"() ({
        %run_scoped3A = tpu.sem_alloc : memref<!tpu.dma_semaphore, #tpu.memory_space<semaphore_mem>>
        %dma_start3A_19 = tpu.memref_slice %arg3[%add3A_14] : memref<2048xi32, #tpu.memory_space<hbm>> -> memref<32xi32, #tpu.memory_space<hbm>>
        %dma_start3A_20 = tpu.memref_slice %arg3[%add3A_14] : memref<2048xi32, #tpu.memory_space<hbm>> -> memref<32xi32, #tpu.memory_space<hbm>>
        tpu.enqueue_dma source(%dma_start3A_20 : memref<32xi32, #tpu.memory_space<hbm>>) target(%arg5 : memref<32xi32, #tpu.memory_space<vmem>>) target_semaphore(%run_scoped3A : memref<!tpu.dma_semaphore, #tpu.memory_space<semaphore_mem>>)
        %dma_wait3A_21 = tpu.memref_slice %arg3[%add3A_14] : memref<2048xi32, #tpu.memory_space<hbm>> -> memref<32xi32, #tpu.memory_space<hbm>>
        %dma_wait3A_22 = tpu.memref_slice %arg3[%add3A_14] : memref<2048xi32, #tpu.memory_space<hbm>> -> memref<32xi32, #tpu.memory_space<hbm>>
        tpu.wait_dma2 semaphore(%run_scoped3A : memref<!tpu.dma_semaphore, #tpu.memory_space<semaphore_mem>>) src(%dma_wait3A_22 : memref<32xi32, #tpu.memory_space<hbm>>) dst(%arg5 : memref<32xi32, #tpu.memory_space<vmem>>)
        tpu.yield
      }) : () -> ()
      %dma_start3A = arith.constant 0 : i32
      %dma_start3A_15 = arith.constant 0 : i32
      %dma_start3A_16 = tpu.memref_slice %arg2[%dma_start3A, %dma_start3A_15] : memref<50265x2048xf32, #tpu.memory_space<hbm>> -> memref<50265x2048xf32, #tpu.memory_space<hbm>>
      tpu.enqueue_indirect_dma source(%dma_start3A_16 : memref<50265x2048xf32, #tpu.memory_space<hbm>>) target(%arg6 : memref<32x2048xf32, #tpu.memory_space<vmem>>) offsets(%arg5 : memref<32xi32, #tpu.memory_space<vmem>>) semaphore(%arg7 : memref<!tpu.dma_semaphore, #tpu.memory_space<semaphore_mem>>)
      %dma_wait3A = arith.constant 0 : i32
      %dma_wait3A_17 = arith.constant 0 : i32
      %dma_wait3A_18 = tpu.memref_slice %arg2[%dma_wait3A, %dma_wait3A_17] : memref<50265x2048xf32, #tpu.memory_space<hbm>> -> memref<50265x2048xf32, #tpu.memory_space<hbm>>
      tpu.wait_indirect_dma semaphore(%arg7 : memref<!tpu.dma_semaphore, #tpu.memory_space<semaphore_mem>>) src(%dma_wait3A_18 : memref<50265x2048xf32, #tpu.memory_space<hbm>>) dst(%arg6 : memref<32x2048xf32, #tpu.memory_space<vmem>>)
      "tpu.region"() ({
        %run_scoped3A = tpu.sem_alloc : memref<!tpu.dma_semaphore, #tpu.memory_space<semaphore_mem>>
        %dma_start3A_19 = arith.constant 0 : i32
        %dma_start3A_20 = tpu.memref_slice %arg4[%add3A_14, %dma_start3A_19] : memref<2048x2048xf32, #tpu.memory_space<hbm>> -> memref<32x2048xf32, #tpu.memory_space<hbm>>
        %dma_start3A_21 = arith.constant 0 : i32
        %dma_start3A_22 = tpu.memref_slice %arg4[%add3A_14, %dma_start3A_21] : memref<2048x2048xf32, #tpu.memory_space<hbm>> -> memref<32x2048xf32, #tpu.memory_space<hbm>>
        tpu.enqueue_dma source(%arg6 : memref<32x2048xf32, #tpu.memory_space<vmem>>) target(%dma_start3A_22 : memref<32x2048xf32, #tpu.memory_space<hbm>>) target_semaphore(%run_scoped3A : memref<!tpu.dma_semaphore, #tpu.memory_space<semaphore_mem>>)
        %dma_wait3A_23 = arith.constant 0 : i32
        %dma_wait3A_24 = tpu.memref_slice %arg4[%add3A_14, %dma_wait3A_23] : memref<2048x2048xf32, #tpu.memory_space<hbm>> -> memref<32x2048xf32, #tpu.memory_space<hbm>>
        %dma_wait3A_25 = arith.constant 0 : i32
        %dma_wait3A_26 = tpu.memref_slice %arg4[%add3A_14, %dma_wait3A_25] : memref<2048x2048xf32, #tpu.memory_space<hbm>> -> memref<32x2048xf32, #tpu.memory_space<hbm>>
        tpu.wait_dma2 semaphore(%run_scoped3A : memref<!tpu.dma_semaphore, #tpu.memory_space<semaphore_mem>>) src(%arg6 : memref<32x2048xf32, #tpu.memory_space<vmem>>) dst(%dma_wait3A_26 : memref<32x2048xf32, #tpu.memory_space<hbm>>)
        tpu.yield
      }) : () -> ()
    }
    %scan3A_4 = arith.constant 2 : i32
    return
  }
}

module attributes {stable_mosaic.version = 14 : i64} {
  func.func @_embed_body(%arg0: i32, %arg1: memref<256x1024xf32, #tpu.memory_space<vmem>>, %arg2: memref<256x1024xf32, #tpu.memory_space<vmem>>, %arg3: memref<1x1024xf32, #tpu.memory_space<vmem>>, %arg4: memref<1x1024xf32, #tpu.memory_space<vmem>>, %arg5: memref<1x1024xf32, #tpu.memory_space<vmem>>, %arg6: memref<256x1024xf32, #tpu.memory_space<vmem>>) attributes {dimension_semantics = [#tpu.dimension_semantics<arbitrary>], iteration_bounds = array<i64: 8>, scalar_prefetch = 0 : i64, scratch_operands = 0 : i64, tpu.core_type = #tpu.core_type<tc>, window_params = [{transform_indices = @transform_0, window_bounds = array<i64: 256, 1024>}, {transform_indices = @transform_1, window_bounds = array<i64: 256, 1024>}, {pipeline_mode = #tpu.pipeline_mode<synchronous>, transform_indices = @transform_2, window_bounds = array<i64: 1, 1024>}, {pipeline_mode = #tpu.pipeline_mode<synchronous>, transform_indices = @transform_3, window_bounds = array<i64: 1, 1024>}, {pipeline_mode = #tpu.pipeline_mode<synchronous>, transform_indices = @transform_4, window_bounds = array<i64: 1, 1024>}, {transform_indices = @transform_5, window_bounds = array<i64: 256, 1024>}]} {
    %get3A = arith.constant 0 : index
    %get3A_0 = arith.constant 0 : index
    %get3A_1 = vector.load %arg1[%get3A, %get3A_0] : memref<256x1024xf32, #tpu.memory_space<vmem>>, vector<256x1024xf32>
    %get3A_2 = arith.constant 0 : index
    %get3A_3 = arith.constant 0 : index
    %get3A_4 = vector.load %arg2[%get3A_2, %get3A_3] : memref<256x1024xf32, #tpu.memory_space<vmem>>, vector<256x1024xf32>
    %add3A = arith.addf %get3A_1, %get3A_4 : vector<256x1024xf32>
    %get3A_5 = arith.constant 0 : index
    %get3A_6 = arith.constant 0 : index
    %get3A_7 = vector.load %arg3[%get3A_5, %get3A_6] : memref<1x1024xf32, #tpu.memory_space<vmem>>, vector<1x1024xf32>
    %add3A_8 = vector.broadcast %get3A_7 : vector<1x1024xf32> to vector<256x1024xf32>
    %add3A_9 = arith.addf %add3A, %add3A_8 : vector<256x1024xf32>
    %reduce_sum3A = arith.constant dense<0.000000e+00> : vector<256xf32>
    %reduce_sum3A_10 = vector.multi_reduction <add>, %add3A_9, %reduce_sum3A [1] : vector<256x1024xf32> to vector<256xf32>
    %broadcast_in_dim3A = vector.shape_cast %reduce_sum3A_10 : vector<256xf32> to vector<256x1xf32>
    %div3A = arith.constant 1.024000e+03 : f32
    %div3A_11 = vector.broadcast %div3A : f32 to vector<256x1xf32>
    %div3A_12 = arith.divf %broadcast_in_dim3A, %div3A_11 : vector<256x1xf32>
    %sub3A = vector.broadcast %div3A_12 : vector<256x1xf32> to vector<256x1024xf32>
    %sub3A_13 = arith.subf %add3A_9, %sub3A : vector<256x1024xf32>
    %integer_pow3A = arith.mulf %sub3A_13, %sub3A_13 : vector<256x1024xf32>
    %reduce_sum3A_14 = arith.constant dense<0.000000e+00> : vector<256xf32>
    %reduce_sum3A_15 = vector.multi_reduction <add>, %integer_pow3A, %reduce_sum3A_14 [1] : vector<256x1024xf32> to vector<256xf32>
    %broadcast_in_dim3A_16 = vector.shape_cast %reduce_sum3A_15 : vector<256xf32> to vector<256x1xf32>
    %div3A_17 = arith.constant 1.024000e+03 : f32
    %div3A_18 = vector.broadcast %div3A_17 : f32 to vector<256x1xf32>
    %div3A_19 = arith.divf %broadcast_in_dim3A_16, %div3A_18 : vector<256x1xf32>
    %sub3A_20 = vector.broadcast %div3A_12 : vector<256x1xf32> to vector<256x1024xf32>
    %sub3A_21 = arith.subf %add3A_9, %sub3A_20 : vector<256x1024xf32>
    %add3A_22 = arith.constant 9.99999974E-6 : f32
    %add3A_23 = vector.broadcast %add3A_22 : f32 to vector<256x1xf32>
    %add3A_24 = arith.addf %div3A_19, %add3A_23 : vector<256x1xf32>
    %sqrt3A = math.sqrt %add3A_24 : vector<256x1xf32>
    %div3A_25 = vector.broadcast %sqrt3A : vector<256x1xf32> to vector<256x1024xf32>
    %div3A_26 = arith.divf %sub3A_21, %div3A_25 : vector<256x1024xf32>
    %get3A_27 = arith.constant 0 : index
    %get3A_28 = arith.constant 0 : index
    %get3A_29 = vector.load %arg4[%get3A_27, %get3A_28] : memref<1x1024xf32, #tpu.memory_space<vmem>>, vector<1x1024xf32>
    %mul3A = vector.broadcast %get3A_29 : vector<1x1024xf32> to vector<256x1024xf32>
    %mul3A_30 = arith.mulf %div3A_26, %mul3A : vector<256x1024xf32>
    %get3A_31 = arith.constant 0 : index
    %get3A_32 = arith.constant 0 : index
    %get3A_33 = vector.load %arg5[%get3A_31, %get3A_32] : memref<1x1024xf32, #tpu.memory_space<vmem>>, vector<1x1024xf32>
    %add3A_34 = vector.broadcast %get3A_33 : vector<1x1024xf32> to vector<256x1024xf32>
    %add3A_35 = arith.addf %mul3A_30, %add3A_34 : vector<256x1024xf32>
    %convert_element_type3A = arith.truncf %add3A_35 : vector<256x1024xf32> to vector<256x1024xbf16>
    %convert_element_type3A_36 = arith.extf %convert_element_type3A : vector<256x1024xbf16> to vector<256x1024xf32>
    %swap3A = arith.constant 0 : index
    %swap3A_37 = arith.constant 0 : index
    %swap3A_38 = vector.load %arg6[%swap3A, %swap3A_37] : memref<256x1024xf32, #tpu.memory_space<vmem>>, vector<256x1024xf32>
    tpu.vector_store %arg6[%swap3A, %swap3A_37], %convert_element_type3A_36 {strides = array<i32>} : memref<256x1024xf32, #tpu.memory_space<vmem>>, vector<256x1024xf32>,
    return
  }
  func.func @transform_0(%arg0: i32) -> (i32, i32) {
    %c0_i32 = arith.constant 0 : i32
    %c0_i32_0 = arith.constant 0 : i32
    return %arg0, %c0_i32 : i32, i32
  }
  func.func @transform_1(%arg0: i32) -> (i32, i32) {
    %c0_i32 = arith.constant 0 : i32
    %c0_i32_0 = arith.constant 0 : i32
    return %arg0, %c0_i32 : i32, i32
  }
  func.func @transform_2(%arg0: i32) -> (i32, i32) {
    %c0_i32 = arith.constant 0 : i32
    %c0_i32_0 = arith.constant 0 : i32
    %c0_i32_1 = arith.constant 0 : i32
    return %c0_i32, %c0_i32_0 : i32, i32
  }
  func.func @transform_3(%arg0: i32) -> (i32, i32) {
    %c0_i32 = arith.constant 0 : i32
    %c0_i32_0 = arith.constant 0 : i32
    %c0_i32_1 = arith.constant 0 : i32
    return %c0_i32, %c0_i32_0 : i32, i32
  }
  func.func @transform_4(%arg0: i32) -> (i32, i32) {
    %c0_i32 = arith.constant 0 : i32
    %c0_i32_0 = arith.constant 0 : i32
    %c0_i32_1 = arith.constant 0 : i32
    return %c0_i32, %c0_i32_0 : i32, i32
  }
  func.func @transform_5(%arg0: i32) -> (i32, i32) {
    %c0_i32 = arith.constant 0 : i32
    %c0_i32_0 = arith.constant 0 : i32
    return %arg0, %c0_i32 : i32, i32
  }
}

module attributes {stable_mosaic.version = 14 : i64} {
  func.func @_lm_body(%arg0: i32, %arg1: memref<2048x1024xf32, #tpu.memory_space<vmem>>, %arg2: memref<1024x1024xf32, #tpu.memory_space<vmem>>, %arg3: memref<1024x1xf32, #tpu.memory_space<vmem>>, %arg4: memref<1024x2048xf32, #tpu.memory_space<vmem>>, %arg5: memref<1x2048xf32, #tpu.memory_space<vmem>>, %arg6: memref<1x2048xf32, #tpu.memory_space<vmem>>, %arg7: memref<1x2048xf32, #tpu.memory_space<vmem>>, %arg8: memref<1x2048xf32, #tpu.memory_space<vmem>>) attributes {dimension_semantics = [#tpu.dimension_semantics<arbitrary>], iteration_bounds = array<i64: 50>, scalar_prefetch = 0 : i64, scratch_operands = 2 : i64, tpu.core_type = #tpu.core_type<tc>, window_params = [{pipeline_mode = #tpu.pipeline_mode<synchronous>, transform_indices = @transform_0, window_bounds = array<i64: 2048, 1024>}, {transform_indices = @transform_1, window_bounds = array<i64: 1024, 1024>}, {transform_indices = @transform_2, window_bounds = array<i64: 1024, 1>}, {transform_indices = @transform_3, window_bounds = array<i64: 1024, 2048>}, {pipeline_mode = #tpu.pipeline_mode<synchronous>, transform_indices = @transform_4, window_bounds = array<i64: 1, 2048>}, {pipeline_mode = #tpu.pipeline_mode<synchronous>, transform_indices = @transform_5, window_bounds = array<i64: 1, 2048>}]} {
    %lt3A = arith.constant 49 : i32
    %lt3A_0 = arith.cmpi slt, %arg0, %lt3A : i32
    %convert_element_type3A = arith.extui %lt3A_0 : i1 to i32
    %cond3A = arith.constant 0 : i32
    %cond3A_1 = arith.cmpi ne, %convert_element_type3A, %cond3A : i32
    scf.if %cond3A_1 {
      %get3A = arith.constant 0 : index
      %get3A_6 = arith.constant 0 : index
      %get3A_7 = vector.load %arg2[%get3A, %get3A_6] : memref<1024x1024xf32, #tpu.memory_space<vmem>>, vector<1024x1024xf32>
      %get3A_8 = arith.constant 0 : index
      %get3A_9 = arith.constant 0 : index
      %get3A_10 = vector.load %arg1[%get3A_8, %get3A_9] : memref<2048x1024xf32, #tpu.memory_space<vmem>>, vector<512x1024xf32>
      %dot_general3A = arith.constant dense<0.000000e+00> : vector<1024x512xf32>
      %dot_general3A_11 = tpu.matmul %get3A_7, %get3A_10, %dot_general3A {dimension_numbers = #tpu.dot_dimension_numbers<[1], [1], [0], [0], [0, 0, 1, 0], [], []>, transpose_lhs_hint = false} : vector<1024x1024xf32>, vector<512x1024xf32>, vector<1024x512xf32> -> vector<1024x512xf32>
      %get3A_12 = arith.constant 0 : index
      %get3A_13 = arith.constant 0 : index
      %get3A_14 = vector.load %arg3[%get3A_12, %get3A_13] : memref<1024x1xf32, #tpu.memory_space<vmem>>, vector<1024x1xf32>
      %add3A = vector.broadcast %get3A_14 : vector<1024x1xf32> to vector<1024x512xf32>
      %add3A_15 = arith.addf %dot_general3A_11, %add3A : vector<1024x512xf32>
      %swap3A = arith.constant 0 : index
      %swap3A_16 = arith.constant 0 : index
      %swap3A_17 = vector.load %arg4[%swap3A, %swap3A_16] : memref<1024x2048xf32, #tpu.memory_space<vmem>>, vector<1024x512xf32>
      tpu.vector_store %arg4[%swap3A, %swap3A_16], %add3A_15 {strides = array<i32>} : memref<1024x2048xf32, #tpu.memory_space<vmem>>, vector<1024x512xf32>,
      %reduce_max3A = arith.constant dense<0xFF800000> : vector<512xf32>
      %reduce_max3A_18 = vector.multi_reduction <maximumf>, %add3A_15, %reduce_max3A [0] : vector<1024x512xf32> to vector<512xf32>
      %broadcast_in_dim3A = vector.shape_cast %reduce_max3A_18 : vector<512xf32> to vector<1x512xf32>
      %eq3A_19 = arith.constant 0 : i32
      %eq3A_20 = arith.cmpi eq, %arg0, %eq3A_19 : i32
      %convert_element_type3A_21 = arith.extui %eq3A_20 : i1 to i32
      %cond3A_22 = arith.constant 0 : i32
      %cond3A_23 = arith.cmpi ne, %convert_element_type3A_21, %cond3A_22 : i32
      scf.if %cond3A_23 {
        %swap3A_115 = arith.constant 0 : index
        %swap3A_116 = arith.constant 0 : index
        %swap3A_117 = vector.load %arg7[%swap3A_115, %swap3A_116] : memref<1x2048xf32, #tpu.memory_space<vmem>>, vector<1x512xf32>
        tpu.vector_store %arg7[%swap3A_115, %swap3A_116], %broadcast_in_dim3A {strides = array<i32>} : memref<1x2048xf32, #tpu.memory_space<vmem>>, vector<1x512xf32>,
        %sub3A = vector.broadcast %broadcast_in_dim3A : vector<1x512xf32> to vector<1024x512xf32>
        %sub3A_118 = arith.subf %add3A_15, %sub3A : vector<1024x512xf32>
        %exp3A = math.exp %sub3A_118 : vector<1024x512xf32>
        %reduce_sum3A = arith.constant dense<0.000000e+00> : vector<512xf32>
        %reduce_sum3A_119 = vector.multi_reduction <add>, %exp3A, %reduce_sum3A [0] : vector<1024x512xf32> to vector<512xf32>
        %broadcast_in_dim3A_120 = vector.shape_cast %reduce_sum3A_119 : vector<512xf32> to vector<1x512xf32>
        %swap3A_121 = arith.constant 0 : index
        %swap3A_122 = arith.constant 0 : index
        %swap3A_123 = vector.load %arg8[%swap3A_121, %swap3A_122] : memref<1x2048xf32, #tpu.memory_space<vmem>>, vector<1x512xf32>
        tpu.vector_store %arg8[%swap3A_121, %swap3A_122], %broadcast_in_dim3A_120 {strides = array<i32>} : memref<1x2048xf32, #tpu.memory_space<vmem>>, vector<1x512xf32>,
      } else {
      }
      %gt3A = arith.constant 0 : i32
      %gt3A_24 = arith.cmpi sgt, %arg0, %gt3A : i32
      %convert_element_type3A_25 = arith.extui %gt3A_24 : i1 to i32
      %cond3A_26 = arith.constant 0 : i32
      %cond3A_27 = arith.cmpi ne, %convert_element_type3A_25, %cond3A_26 : i32
      scf.if %cond3A_27 {
        %get3A_115 = arith.constant 0 : index
        %get3A_116 = arith.constant 0 : index
        %get3A_117 = vector.load %arg7[%get3A_115, %get3A_116] : memref<1x2048xf32, #tpu.memory_space<vmem>>, vector<1x512xf32>
        %max3A = arith.maximumf %get3A_117, %broadcast_in_dim3A : vector<1x512xf32>
        %get3A_118 = arith.constant 0 : index
        %get3A_119 = arith.constant 0 : index
        %get3A_120 = vector.load %arg8[%get3A_118, %get3A_119] : memref<1x2048xf32, #tpu.memory_space<vmem>>, vector<1x512xf32>
        %sub3A = arith.subf %get3A_117, %max3A : vector<1x512xf32>
        %exp3A = math.exp %sub3A : vector<1x512xf32>
        %mul3A = arith.mulf %get3A_120, %exp3A : vector<1x512xf32>
        %sub3A_121 = vector.broadcast %max3A : vector<1x512xf32> to vector<1024x512xf32>
        %sub3A_122 = arith.subf %add3A_15, %sub3A_121 : vector<1024x512xf32>
        %exp3A_123 = math.exp %sub3A_122 : vector<1024x512xf32>
        %reduce_sum3A = arith.constant dense<0.000000e+00> : vector<512xf32>
        %reduce_sum3A_124 = vector.multi_reduction <add>, %exp3A_123, %reduce_sum3A [0] : vector<1024x512xf32> to vector<512xf32>
        %broadcast_in_dim3A_125 = vector.shape_cast %reduce_sum3A_124 : vector<512xf32> to vector<1x512xf32>
        %add3A_126 = arith.addf %mul3A, %broadcast_in_dim3A_125 : vector<1x512xf32>
        %swap3A_127 = arith.constant 0 : index
        %swap3A_128 = arith.constant 0 : index
        %swap3A_129 = vector.load %arg8[%swap3A_127, %swap3A_128] : memref<1x2048xf32, #tpu.memory_space<vmem>>, vector<1x512xf32>
        tpu.vector_store %arg8[%swap3A_127, %swap3A_128], %add3A_126 {strides = array<i32>} : memref<1x2048xf32, #tpu.memory_space<vmem>>, vector<1x512xf32>,
        %swap3A_130 = arith.constant 0 : index
        %swap3A_131 = arith.constant 0 : index
        %swap3A_132 = vector.load %arg7[%swap3A_130, %swap3A_131] : memref<1x2048xf32, #tpu.memory_space<vmem>>, vector<1x512xf32>
        tpu.vector_store %arg7[%swap3A_130, %swap3A_131], %max3A {strides = array<i32>} : memref<1x2048xf32, #tpu.memory_space<vmem>>, vector<1x512xf32>,
      } else {
      }
      %get3A_28 = arith.constant 0 : index
      %get3A_29 = arith.constant 0 : index
      %get3A_30 = vector.load %arg2[%get3A_28, %get3A_29] : memref<1024x1024xf32, #tpu.memory_space<vmem>>, vector<1024x1024xf32>
      %get3A_31 = arith.constant 512 : index
      %get3A_32 = arith.constant 0 : index
      %get3A_33 = vector.load %arg1[%get3A_31, %get3A_32] : memref<2048x1024xf32, #tpu.memory_space<vmem>>, vector<512x1024xf32>
      %dot_general3A_34 = arith.constant dense<0.000000e+00> : vector<1024x512xf32>
      %dot_general3A_35 = tpu.matmul %get3A_30, %get3A_33, %dot_general3A_34 {dimension_numbers = #tpu.dot_dimension_numbers<[1], [1], [0], [0], [0, 0, 1, 0], [], []>, transpose_lhs_hint = false} : vector<1024x1024xf32>, vector<512x1024xf32>, vector<1024x512xf32> -> vector<1024x512xf32>
      %get3A_36 = arith.constant 0 : index
      %get3A_37 = arith.constant 0 : index
      %get3A_38 = vector.load %arg3[%get3A_36, %get3A_37] : memref<1024x1xf32, #tpu.memory_space<vmem>>, vector<1024x1xf32>
      %add3A_39 = vector.broadcast %get3A_38 : vector<1024x1xf32> to vector<1024x512xf32>
      %add3A_40 = arith.addf %dot_general3A_35, %add3A_39 : vector<1024x512xf32>
      %swap3A_41 = arith.constant 0 : index
      %swap3A_42 = arith.constant 512 : index
      %swap3A_43 = vector.load %arg4[%swap3A_41, %swap3A_42] : memref<1024x2048xf32, #tpu.memory_space<vmem>>, vector<1024x512xf32>
      tpu.vector_store %arg4[%swap3A_41, %swap3A_42], %add3A_40 {strides = array<i32>} : memref<1024x2048xf32, #tpu.memory_space<vmem>>, vector<1024x512xf32>,
      %reduce_max3A_44 = arith.constant dense<0xFF800000> : vector<512xf32>
      %reduce_max3A_45 = vector.multi_reduction <maximumf>, %add3A_40, %reduce_max3A_44 [0] : vector<1024x512xf32> to vector<512xf32>
      %broadcast_in_dim3A_46 = vector.shape_cast %reduce_max3A_45 : vector<512xf32> to vector<1x512xf32>
      %eq3A_47 = arith.constant 0 : i32
      %eq3A_48 = arith.cmpi eq, %arg0, %eq3A_47 : i32
      %convert_element_type3A_49 = arith.extui %eq3A_48 : i1 to i32
      %cond3A_50 = arith.constant 0 : i32
      %cond3A_51 = arith.cmpi ne, %convert_element_type3A_49, %cond3A_50 : i32
      scf.if %cond3A_51 {
        %swap3A_115 = arith.constant 0 : index
        %swap3A_116 = arith.constant 512 : index
        %swap3A_117 = vector.load %arg7[%swap3A_115, %swap3A_116] : memref<1x2048xf32, #tpu.memory_space<vmem>>, vector<1x512xf32>
        tpu.vector_store %arg7[%swap3A_115, %swap3A_116], %broadcast_in_dim3A_46 {strides = array<i32>} : memref<1x2048xf32, #tpu.memory_space<vmem>>, vector<1x512xf32>,
        %sub3A = vector.broadcast %broadcast_in_dim3A_46 : vector<1x512xf32> to vector<1024x512xf32>
        %sub3A_118 = arith.subf %add3A_40, %sub3A : vector<1024x512xf32>
        %exp3A = math.exp %sub3A_118 : vector<1024x512xf32>
        %reduce_sum3A = arith.constant dense<0.000000e+00> : vector<512xf32>
        %reduce_sum3A_119 = vector.multi_reduction <add>, %exp3A, %reduce_sum3A [0] : vector<1024x512xf32> to vector<512xf32>
        %broadcast_in_dim3A_120 = vector.shape_cast %reduce_sum3A_119 : vector<512xf32> to vector<1x512xf32>
        %swap3A_121 = arith.constant 0 : index
        %swap3A_122 = arith.constant 512 : index
        %swap3A_123 = vector.load %arg8[%swap3A_121, %swap3A_122] : memref<1x2048xf32, #tpu.memory_space<vmem>>, vector<1x512xf32>
        tpu.vector_store %arg8[%swap3A_121, %swap3A_122], %broadcast_in_dim3A_120 {strides = array<i32>} : memref<1x2048xf32, #tpu.memory_space<vmem>>, vector<1x512xf32>,
      } else {
      }
      %gt3A_52 = arith.constant 0 : i32
      %gt3A_53 = arith.cmpi sgt, %arg0, %gt3A_52 : i32
      %convert_element_type3A_54 = arith.extui %gt3A_53 : i1 to i32
      %cond3A_55 = arith.constant 0 : i32
      %cond3A_56 = arith.cmpi ne, %convert_element_type3A_54, %cond3A_55 : i32
      scf.if %cond3A_56 {
        %get3A_115 = arith.constant 0 : index
        %get3A_116 = arith.constant 512 : index
        %get3A_117 = vector.load %arg7[%get3A_115, %get3A_116] : memref<1x2048xf32, #tpu.memory_space<vmem>>, vector<1x512xf32>
        %max3A = arith.maximumf %get3A_117, %broadcast_in_dim3A_46 : vector<1x512xf32>
        %get3A_118 = arith.constant 0 : index
        %get3A_119 = arith.constant 512 : index
        %get3A_120 = vector.load %arg8[%get3A_118, %get3A_119] : memref<1x2048xf32, #tpu.memory_space<vmem>>, vector<1x512xf32>
        %sub3A = arith.subf %get3A_117, %max3A : vector<1x512xf32>
        %exp3A = math.exp %sub3A : vector<1x512xf32>
        %mul3A = arith.mulf %get3A_120, %exp3A : vector<1x512xf32>
        %sub3A_121 = vector.broadcast %max3A : vector<1x512xf32> to vector<1024x512xf32>
        %sub3A_122 = arith.subf %add3A_40, %sub3A_121 : vector<1024x512xf32>
        %exp3A_123 = math.exp %sub3A_122 : vector<1024x512xf32>
        %reduce_sum3A = arith.constant dense<0.000000e+00> : vector<512xf32>
        %reduce_sum3A_124 = vector.multi_reduction <add>, %exp3A_123, %reduce_sum3A [0] : vector<1024x512xf32> to vector<512xf32>
        %broadcast_in_dim3A_125 = vector.shape_cast %reduce_sum3A_124 : vector<512xf32> to vector<1x512xf32>
        %add3A_126 = arith.addf %mul3A, %broadcast_in_dim3A_125 : vector<1x512xf32>
        %swap3A_127 = arith.constant 0 : index
        %swap3A_128 = arith.constant 512 : index
        %swap3A_129 = vector.load %arg8[%swap3A_127, %swap3A_128] : memref<1x2048xf32, #tpu.memory_space<vmem>>, vector<1x512xf32>
        tpu.vector_store %arg8[%swap3A_127, %swap3A_128], %add3A_126 {strides = array<i32>} : memref<1x2048xf32, #tpu.memory_space<vmem>>, vector<1x512xf32>,
        %swap3A_130 = arith.constant 0 : index
        %swap3A_131 = arith.constant 512 : index
        %swap3A_132 = vector.load %arg7[%swap3A_130, %swap3A_131] : memref<1x2048xf32, #tpu.memory_space<vmem>>, vector<1x512xf32>
        tpu.vector_store %arg7[%swap3A_130, %swap3A_131], %max3A {strides = array<i32>} : memref<1x2048xf32, #tpu.memory_space<vmem>>, vector<1x512xf32>,
      } else {
      }
      %get3A_57 = arith.constant 0 : index
      %get3A_58 = arith.constant 0 : index
      %get3A_59 = vector.load %arg2[%get3A_57, %get3A_58] : memref<1024x1024xf32, #tpu.memory_space<vmem>>, vector<1024x1024xf32>
      %get3A_60 = arith.constant 1024 : index
      %get3A_61 = arith.constant 0 : index
      %get3A_62 = vector.load %arg1[%get3A_60, %get3A_61] : memref<2048x1024xf32, #tpu.memory_space<vmem>>, vector<512x1024xf32>
      %dot_general3A_63 = arith.constant dense<0.000000e+00> : vector<1024x512xf32>
      %dot_general3A_64 = tpu.matmul %get3A_59, %get3A_62, %dot_general3A_63 {dimension_numbers = #tpu.dot_dimension_numbers<[1], [1], [0], [0], [0, 0, 1, 0], [], []>, transpose_lhs_hint = false} : vector<1024x1024xf32>, vector<512x1024xf32>, vector<1024x512xf32> -> vector<1024x512xf32>
      %get3A_65 = arith.constant 0 : index
      %get3A_66 = arith.constant 0 : index
      %get3A_67 = vector.load %arg3[%get3A_65, %get3A_66] : memref<1024x1xf32, #tpu.memory_space<vmem>>, vector<1024x1xf32>
      %add3A_68 = vector.broadcast %get3A_67 : vector<1024x1xf32> to vector<1024x512xf32>
      %add3A_69 = arith.addf %dot_general3A_64, %add3A_68 : vector<1024x512xf32>
      %swap3A_70 = arith.constant 0 : index
      %swap3A_71 = arith.constant 1024 : index
      %swap3A_72 = vector.load %arg4[%swap3A_70, %swap3A_71] : memref<1024x2048xf32, #tpu.memory_space<vmem>>, vector<1024x512xf32>
      tpu.vector_store %arg4[%swap3A_70, %swap3A_71], %add3A_69 {strides = array<i32>} : memref<1024x2048xf32, #tpu.memory_space<vmem>>, vector<1024x512xf32>,
      %reduce_max3A_73 = arith.constant dense<0xFF800000> : vector<512xf32>
      %reduce_max3A_74 = vector.multi_reduction <maximumf>, %add3A_69, %reduce_max3A_73 [0] : vector<1024x512xf32> to vector<512xf32>
      %broadcast_in_dim3A_75 = vector.shape_cast %reduce_max3A_74 : vector<512xf32> to vector<1x512xf32>
      %eq3A_76 = arith.constant 0 : i32
      %eq3A_77 = arith.cmpi eq, %arg0, %eq3A_76 : i32
      %convert_element_type3A_78 = arith.extui %eq3A_77 : i1 to i32
      %cond3A_79 = arith.constant 0 : i32
      %cond3A_80 = arith.cmpi ne, %convert_element_type3A_78, %cond3A_79 : i32
      scf.if %cond3A_80 {
        %swap3A_115 = arith.constant 0 : index
        %swap3A_116 = arith.constant 1024 : index
        %swap3A_117 = vector.load %arg7[%swap3A_115, %swap3A_116] : memref<1x2048xf32, #tpu.memory_space<vmem>>, vector<1x512xf32>
        tpu.vector_store %arg7[%swap3A_115, %swap3A_116], %broadcast_in_dim3A_75 {strides = array<i32>} : memref<1x2048xf32, #tpu.memory_space<vmem>>, vector<1x512xf32>,
        %sub3A = vector.broadcast %broadcast_in_dim3A_75 : vector<1x512xf32> to vector<1024x512xf32>
        %sub3A_118 = arith.subf %add3A_69, %sub3A : vector<1024x512xf32>
        %exp3A = math.exp %sub3A_118 : vector<1024x512xf32>
        %reduce_sum3A = arith.constant dense<0.000000e+00> : vector<512xf32>
        %reduce_sum3A_119 = vector.multi_reduction <add>, %exp3A, %reduce_sum3A [0] : vector<1024x512xf32> to vector<512xf32>
        %broadcast_in_dim3A_120 = vector.shape_cast %reduce_sum3A_119 : vector<512xf32> to vector<1x512xf32>
        %swap3A_121 = arith.constant 0 : index
        %swap3A_122 = arith.constant 1024 : index
        %swap3A_123 = vector.load %arg8[%swap3A_121, %swap3A_122] : memref<1x2048xf32, #tpu.memory_space<vmem>>, vector<1x512xf32>
        tpu.vector_store %arg8[%swap3A_121, %swap3A_122], %broadcast_in_dim3A_120 {strides = array<i32>} : memref<1x2048xf32, #tpu.memory_space<vmem>>, vector<1x512xf32>,
      } else {
      }
      %gt3A_81 = arith.constant 0 : i32
      %gt3A_82 = arith.cmpi sgt, %arg0, %gt3A_81 : i32
      %convert_element_type3A_83 = arith.extui %gt3A_82 : i1 to i32
      %cond3A_84 = arith.constant 0 : i32
      %cond3A_85 = arith.cmpi ne, %convert_element_type3A_83, %cond3A_84 : i32
      scf.if %cond3A_85 {
        %get3A_115 = arith.constant 0 : index
        %get3A_116 = arith.constant 1024 : index
        %get3A_117 = vector.load %arg7[%get3A_115, %get3A_116] : memref<1x2048xf32, #tpu.memory_space<vmem>>, vector<1x512xf32>
        %max3A = arith.maximumf %get3A_117, %broadcast_in_dim3A_75 : vector<1x512xf32>
        %get3A_118 = arith.constant 0 : index
        %get3A_119 = arith.constant 1024 : index
        %get3A_120 = vector.load %arg8[%get3A_118, %get3A_119] : memref<1x2048xf32, #tpu.memory_space<vmem>>, vector<1x512xf32>
        %sub3A = arith.subf %get3A_117, %max3A : vector<1x512xf32>
        %exp3A = math.exp %sub3A : vector<1x512xf32>
        %mul3A = arith.mulf %get3A_120, %exp3A : vector<1x512xf32>
        %sub3A_121 = vector.broadcast %max3A : vector<1x512xf32> to vector<1024x512xf32>
        %sub3A_122 = arith.subf %add3A_69, %sub3A_121 : vector<1024x512xf32>
        %exp3A_123 = math.exp %sub3A_122 : vector<1024x512xf32>
        %reduce_sum3A = arith.constant dense<0.000000e+00> : vector<512xf32>
        %reduce_sum3A_124 = vector.multi_reduction <add>, %exp3A_123, %reduce_sum3A [0] : vector<1024x512xf32> to vector<512xf32>
        %broadcast_in_dim3A_125 = vector.shape_cast %reduce_sum3A_124 : vector<512xf32> to vector<1x512xf32>
        %add3A_126 = arith.addf %mul3A, %broadcast_in_dim3A_125 : vector<1x512xf32>
        %swap3A_127 = arith.constant 0 : index
        %swap3A_128 = arith.constant 1024 : index
        %swap3A_129 = vector.load %arg8[%swap3A_127, %swap3A_128] : memref<1x2048xf32, #tpu.memory_space<vmem>>, vector<1x512xf32>
        tpu.vector_store %arg8[%swap3A_127, %swap3A_128], %add3A_126 {strides = array<i32>} : memref<1x2048xf32, #tpu.memory_space<vmem>>, vector<1x512xf32>,
        %swap3A_130 = arith.constant 0 : index
        %swap3A_131 = arith.constant 1024 : index
        %swap3A_132 = vector.load %arg7[%swap3A_130, %swap3A_131] : memref<1x2048xf32, #tpu.memory_space<vmem>>, vector<1x512xf32>
        tpu.vector_store %arg7[%swap3A_130, %swap3A_131], %max3A {strides = array<i32>} : memref<1x2048xf32, #tpu.memory_space<vmem>>, vector<1x512xf32>,
      } else {
      }
      %get3A_86 = arith.constant 0 : index
      %get3A_87 = arith.constant 0 : index
      %get3A_88 = vector.load %arg2[%get3A_86, %get3A_87] : memref<1024x1024xf32, #tpu.memory_space<vmem>>, vector<1024x1024xf32>
      %get3A_89 = arith.constant 1536 : index
      %get3A_90 = arith.constant 0 : index
      %get3A_91 = vector.load %arg1[%get3A_89, %get3A_90] : memref<2048x1024xf32, #tpu.memory_space<vmem>>, vector<512x1024xf32>
      %dot_general3A_92 = arith.constant dense<0.000000e+00> : vector<1024x512xf32>
      %dot_general3A_93 = tpu.matmul %get3A_88, %get3A_91, %dot_general3A_92 {dimension_numbers = #tpu.dot_dimension_numbers<[1], [1], [0], [0], [0, 0, 1, 0], [], []>, transpose_lhs_hint = false} : vector<1024x1024xf32>, vector<512x1024xf32>, vector<1024x512xf32> -> vector<1024x512xf32>
      %get3A_94 = arith.constant 0 : index
      %get3A_95 = arith.constant 0 : index
      %get3A_96 = vector.load %arg3[%get3A_94, %get3A_95] : memref<1024x1xf32, #tpu.memory_space<vmem>>, vector<1024x1xf32>
      %add3A_97 = vector.broadcast %get3A_96 : vector<1024x1xf32> to vector<1024x512xf32>
      %add3A_98 = arith.addf %dot_general3A_93, %add3A_97 : vector<1024x512xf32>
      %swap3A_99 = arith.constant 0 : index
      %swap3A_100 = arith.constant 1536 : index
      %swap3A_101 = vector.load %arg4[%swap3A_99, %swap3A_100] : memref<1024x2048xf32, #tpu.memory_space<vmem>>, vector<1024x512xf32>
      tpu.vector_store %arg4[%swap3A_99, %swap3A_100], %add3A_98 {strides = array<i32>} : memref<1024x2048xf32, #tpu.memory_space<vmem>>, vector<1024x512xf32>,
      %reduce_max3A_102 = arith.constant dense<0xFF800000> : vector<512xf32>
      %reduce_max3A_103 = vector.multi_reduction <maximumf>, %add3A_98, %reduce_max3A_102 [0] : vector<1024x512xf32> to vector<512xf32>
      %broadcast_in_dim3A_104 = vector.shape_cast %reduce_max3A_103 : vector<512xf32> to vector<1x512xf32>
      %eq3A_105 = arith.constant 0 : i32
      %eq3A_106 = arith.cmpi eq, %arg0, %eq3A_105 : i32
      %convert_element_type3A_107 = arith.extui %eq3A_106 : i1 to i32
      %cond3A_108 = arith.constant 0 : i32
      %cond3A_109 = arith.cmpi ne, %convert_element_type3A_107, %cond3A_108 : i32
      scf.if %cond3A_109 {
        %swap3A_115 = arith.constant 0 : index
        %swap3A_116 = arith.constant 1536 : index
        %swap3A_117 = vector.load %arg7[%swap3A_115, %swap3A_116] : memref<1x2048xf32, #tpu.memory_space<vmem>>, vector<1x512xf32>
        tpu.vector_store %arg7[%swap3A_115, %swap3A_116], %broadcast_in_dim3A_104 {strides = array<i32>} : memref<1x2048xf32, #tpu.memory_space<vmem>>, vector<1x512xf32>,
        %sub3A = vector.broadcast %broadcast_in_dim3A_104 : vector<1x512xf32> to vector<1024x512xf32>
        %sub3A_118 = arith.subf %add3A_98, %sub3A : vector<1024x512xf32>
        %exp3A = math.exp %sub3A_118 : vector<1024x512xf32>
        %reduce_sum3A = arith.constant dense<0.000000e+00> : vector<512xf32>
        %reduce_sum3A_119 = vector.multi_reduction <add>, %exp3A, %reduce_sum3A [0] : vector<1024x512xf32> to vector<512xf32>
        %broadcast_in_dim3A_120 = vector.shape_cast %reduce_sum3A_119 : vector<512xf32> to vector<1x512xf32>
        %swap3A_121 = arith.constant 0 : index
        %swap3A_122 = arith.constant 1536 : index
        %swap3A_123 = vector.load %arg8[%swap3A_121, %swap3A_122] : memref<1x2048xf32, #tpu.memory_space<vmem>>, vector<1x512xf32>
        tpu.vector_store %arg8[%swap3A_121, %swap3A_122], %broadcast_in_dim3A_120 {strides = array<i32>} : memref<1x2048xf32, #tpu.memory_space<vmem>>, vector<1x512xf32>,
      } else {
      }
      %gt3A_110 = arith.constant 0 : i32
      %gt3A_111 = arith.cmpi sgt, %arg0, %gt3A_110 : i32
      %convert_element_type3A_112 = arith.extui %gt3A_111 : i1 to i32
      %cond3A_113 = arith.constant 0 : i32
      %cond3A_114 = arith.cmpi ne, %convert_element_type3A_112, %cond3A_113 : i32
      scf.if %cond3A_114 {
        %get3A_115 = arith.constant 0 : index
        %get3A_116 = arith.constant 1536 : index
        %get3A_117 = vector.load %arg7[%get3A_115, %get3A_116] : memref<1x2048xf32, #tpu.memory_space<vmem>>, vector<1x512xf32>
        %max3A = arith.maximumf %get3A_117, %broadcast_in_dim3A_104 : vector<1x512xf32>
        %get3A_118 = arith.constant 0 : index
        %get3A_119 = arith.constant 1536 : index
        %get3A_120 = vector.load %arg8[%get3A_118, %get3A_119] : memref<1x2048xf32, #tpu.memory_space<vmem>>, vector<1x512xf32>
        %sub3A = arith.subf %get3A_117, %max3A : vector<1x512xf32>
        %exp3A = math.exp %sub3A : vector<1x512xf32>
        %mul3A = arith.mulf %get3A_120, %exp3A : vector<1x512xf32>
        %sub3A_121 = vector.broadcast %max3A : vector<1x512xf32> to vector<1024x512xf32>
        %sub3A_122 = arith.subf %add3A_98, %sub3A_121 : vector<1024x512xf32>
        %exp3A_123 = math.exp %sub3A_122 : vector<1024x512xf32>
        %reduce_sum3A = arith.constant dense<0.000000e+00> : vector<512xf32>
        %reduce_sum3A_124 = vector.multi_reduction <add>, %exp3A_123, %reduce_sum3A [0] : vector<1024x512xf32> to vector<512xf32>
        %broadcast_in_dim3A_125 = vector.shape_cast %reduce_sum3A_124 : vector<512xf32> to vector<1x512xf32>
        %add3A_126 = arith.addf %mul3A, %broadcast_in_dim3A_125 : vector<1x512xf32>
        %swap3A_127 = arith.constant 0 : index
        %swap3A_128 = arith.constant 1536 : index
        %swap3A_129 = vector.load %arg8[%swap3A_127, %swap3A_128] : memref<1x2048xf32, #tpu.memory_space<vmem>>, vector<1x512xf32>
        tpu.vector_store %arg8[%swap3A_127, %swap3A_128], %add3A_126 {strides = array<i32>} : memref<1x2048xf32, #tpu.memory_space<vmem>>, vector<1x512xf32>,
        %swap3A_130 = arith.constant 0 : index
        %swap3A_131 = arith.constant 1536 : index
        %swap3A_132 = vector.load %arg7[%swap3A_130, %swap3A_131] : memref<1x2048xf32, #tpu.memory_space<vmem>>, vector<1x512xf32>
        tpu.vector_store %arg7[%swap3A_130, %swap3A_131], %max3A {strides = array<i32>} : memref<1x2048xf32, #tpu.memory_space<vmem>>, vector<1x512xf32>,
      } else {
      }
    } else {
    }
    %eq3A = arith.constant 49 : i32
    %eq3A_2 = arith.cmpi eq, %arg0, %eq3A : i32
    %convert_element_type3A_3 = arith.extui %eq3A_2 : i1 to i32
    %cond3A_4 = arith.constant 0 : i32
    %cond3A_5 = arith.cmpi ne, %convert_element_type3A_3, %cond3A_4 : i32
    scf.if %cond3A_5 {
      %get3A = arith.constant 0 : index
      %get3A_6 = arith.constant 0 : index
      %get3A_7 = vector.load %arg2[%get3A, %get3A_6] : memref<1024x1024xf32, #tpu.memory_space<vmem>>, vector<1024x1024xf32>
      %get3A_8 = arith.constant 0 : index
      %get3A_9 = arith.constant 0 : index
      %get3A_10 = vector.load %arg1[%get3A_8, %get3A_9] : memref<2048x1024xf32, #tpu.memory_space<vmem>>, vector<512x1024xf32>
      %dot_general3A = arith.constant dense<0.000000e+00> : vector<1024x512xf32>
      %dot_general3A_11 = tpu.matmul %get3A_7, %get3A_10, %dot_general3A {dimension_numbers = #tpu.dot_dimension_numbers<[1], [1], [0], [0], [0, 0, 1, 0], [], []>, transpose_lhs_hint = false} : vector<1024x1024xf32>, vector<512x1024xf32>, vector<1024x512xf32> -> vector<1024x512xf32>
      %get3A_12 = arith.constant 0 : index
      %get3A_13 = arith.constant 0 : index
      %get3A_14 = vector.load %arg3[%get3A_12, %get3A_13] : memref<1024x1xf32, #tpu.memory_space<vmem>>, vector<1024x1xf32>
      %add3A = vector.broadcast %get3A_14 : vector<1024x1xf32> to vector<1024x512xf32>
      %add3A_15 = arith.addf %dot_general3A_11, %add3A : vector<1024x512xf32>
      %swap3A = arith.constant 0 : index
      %swap3A_16 = arith.constant 0 : index
      %swap3A_17 = vector.load %arg4[%swap3A, %swap3A_16] : memref<1024x2048xf32, #tpu.memory_space<vmem>>, vector<1024x512xf32>
      tpu.vector_store %arg4[%swap3A, %swap3A_16], %add3A_15 {strides = array<i32>} : memref<1024x2048xf32, #tpu.memory_space<vmem>>, vector<1024x512xf32>,
      %iota3A = tpu.iota {dimensions = array<i32: 0>} : vector<1024x512xi32>
      %mul3A = arith.constant 1024 : i32
      %mul3A_18 = arith.muli %arg0, %mul3A : i32
      %add3A_19 = vector.broadcast %mul3A_18 : i32 to vector<1024x512xi32>
      %add3A_20 = arith.addi %iota3A, %add3A_19 : vector<1024x512xi32>
      %lt3A_21 = arith.constant 50265 : i32
      %lt3A_22 = vector.broadcast %lt3A_21 : i32 to vector<1024x512xi32>
      %lt3A_23 = arith.cmpi slt, %add3A_20, %lt3A_22 : vector<1024x512xi32>
      %jit3A = arith.constant 0xFF800000 : f32
      %broadcast_in_dim3A = vector.broadcast %jit3A : f32 to vector<1024x512xf32>
      %select_n3A = arith.select %lt3A_23, %add3A_15, %broadcast_in_dim3A : vector<1024x512xi1>, vector<1024x512xf32>
      %reduce_max3A = arith.constant dense<0xFF800000> : vector<512xf32>
      %reduce_max3A_24 = vector.multi_reduction <maximumf>, %select_n3A, %reduce_max3A [0] : vector<1024x512xf32> to vector<512xf32>
      %broadcast_in_dim3A_25 = vector.shape_cast %reduce_max3A_24 : vector<512xf32> to vector<1x512xf32>
      %eq3A_26 = arith.constant 0 : i32
      %eq3A_27 = arith.cmpi eq, %arg0, %eq3A_26 : i32
      %convert_element_type3A_28 = arith.extui %eq3A_27 : i1 to i32
      %cond3A_29 = arith.constant 0 : i32
      %cond3A_30 = arith.cmpi ne, %convert_element_type3A_28, %cond3A_29 : i32
      scf.if %cond3A_30 {
        %swap3A_167 = arith.constant 0 : index
        %swap3A_168 = arith.constant 0 : index
        %swap3A_169 = vector.load %arg7[%swap3A_167, %swap3A_168] : memref<1x2048xf32, #tpu.memory_space<vmem>>, vector<1x512xf32>
        tpu.vector_store %arg7[%swap3A_167, %swap3A_168], %broadcast_in_dim3A_25 {strides = array<i32>} : memref<1x2048xf32, #tpu.memory_space<vmem>>, vector<1x512xf32>,
        %sub3A = vector.broadcast %broadcast_in_dim3A_25 : vector<1x512xf32> to vector<1024x512xf32>
        %sub3A_170 = arith.subf %select_n3A, %sub3A : vector<1024x512xf32>
        %exp3A = math.exp %sub3A_170 : vector<1024x512xf32>
        %reduce_sum3A = arith.constant dense<0.000000e+00> : vector<512xf32>
        %reduce_sum3A_171 = vector.multi_reduction <add>, %exp3A, %reduce_sum3A [0] : vector<1024x512xf32> to vector<512xf32>
        %broadcast_in_dim3A_172 = vector.shape_cast %reduce_sum3A_171 : vector<512xf32> to vector<1x512xf32>
        %swap3A_173 = arith.constant 0 : index
        %swap3A_174 = arith.constant 0 : index
        %swap3A_175 = vector.load %arg8[%swap3A_173, %swap3A_174] : memref<1x2048xf32, #tpu.memory_space<vmem>>, vector<1x512xf32>
        tpu.vector_store %arg8[%swap3A_173, %swap3A_174], %broadcast_in_dim3A_172 {strides = array<i32>} : memref<1x2048xf32, #tpu.memory_space<vmem>>, vector<1x512xf32>,
      } else {
      }
      %gt3A = arith.constant 0 : i32
      %gt3A_31 = arith.cmpi sgt, %arg0, %gt3A : i32
      %convert_element_type3A_32 = arith.extui %gt3A_31 : i1 to i32
      %cond3A_33 = arith.constant 0 : i32
      %cond3A_34 = arith.cmpi ne, %convert_element_type3A_32, %cond3A_33 : i32
      scf.if %cond3A_34 {
        %get3A_167 = arith.constant 0 : index
        %get3A_168 = arith.constant 0 : index
        %get3A_169 = vector.load %arg7[%get3A_167, %get3A_168] : memref<1x2048xf32, #tpu.memory_space<vmem>>, vector<1x512xf32>
        %max3A = arith.maximumf %get3A_169, %broadcast_in_dim3A_25 : vector<1x512xf32>
        %get3A_170 = arith.constant 0 : index
        %get3A_171 = arith.constant 0 : index
        %get3A_172 = vector.load %arg8[%get3A_170, %get3A_171] : memref<1x2048xf32, #tpu.memory_space<vmem>>, vector<1x512xf32>
        %sub3A = arith.subf %get3A_169, %max3A : vector<1x512xf32>
        %exp3A = math.exp %sub3A : vector<1x512xf32>
        %mul3A_173 = arith.mulf %get3A_172, %exp3A : vector<1x512xf32>
        %sub3A_174 = vector.broadcast %max3A : vector<1x512xf32> to vector<1024x512xf32>
        %sub3A_175 = arith.subf %select_n3A, %sub3A_174 : vector<1024x512xf32>
        %exp3A_176 = math.exp %sub3A_175 : vector<1024x512xf32>
        %reduce_sum3A = arith.constant dense<0.000000e+00> : vector<512xf32>
        %reduce_sum3A_177 = vector.multi_reduction <add>, %exp3A_176, %reduce_sum3A [0] : vector<1024x512xf32> to vector<512xf32>
        %broadcast_in_dim3A_178 = vector.shape_cast %reduce_sum3A_177 : vector<512xf32> to vector<1x512xf32>
        %add3A_179 = arith.addf %mul3A_173, %broadcast_in_dim3A_178 : vector<1x512xf32>
        %swap3A_180 = arith.constant 0 : index
        %swap3A_181 = arith.constant 0 : index
        %swap3A_182 = vector.load %arg8[%swap3A_180, %swap3A_181] : memref<1x2048xf32, #tpu.memory_space<vmem>>, vector<1x512xf32>
        tpu.vector_store %arg8[%swap3A_180, %swap3A_181], %add3A_179 {strides = array<i32>} : memref<1x2048xf32, #tpu.memory_space<vmem>>, vector<1x512xf32>,
        %swap3A_183 = arith.constant 0 : index
        %swap3A_184 = arith.constant 0 : index
        %swap3A_185 = vector.load %arg7[%swap3A_183, %swap3A_184] : memref<1x2048xf32, #tpu.memory_space<vmem>>, vector<1x512xf32>
        tpu.vector_store %arg7[%swap3A_183, %swap3A_184], %max3A {strides = array<i32>} : memref<1x2048xf32, #tpu.memory_space<vmem>>, vector<1x512xf32>,
      } else {
      }
      %get3A_35 = arith.constant 0 : index
      %get3A_36 = arith.constant 0 : index
      %get3A_37 = vector.load %arg2[%get3A_35, %get3A_36] : memref<1024x1024xf32, #tpu.memory_space<vmem>>, vector<1024x1024xf32>
      %get3A_38 = arith.constant 512 : index
      %get3A_39 = arith.constant 0 : index
      %get3A_40 = vector.load %arg1[%get3A_38, %get3A_39] : memref<2048x1024xf32, #tpu.memory_space<vmem>>, vector<512x1024xf32>
      %dot_general3A_41 = arith.constant dense<0.000000e+00> : vector<1024x512xf32>
      %dot_general3A_42 = tpu.matmul %get3A_37, %get3A_40, %dot_general3A_41 {dimension_numbers = #tpu.dot_dimension_numbers<[1], [1], [0], [0], [0, 0, 1, 0], [], []>, transpose_lhs_hint = false} : vector<1024x1024xf32>, vector<512x1024xf32>, vector<1024x512xf32> -> vector<1024x512xf32>
      %get3A_43 = arith.constant 0 : index
      %get3A_44 = arith.constant 0 : index
      %get3A_45 = vector.load %arg3[%get3A_43, %get3A_44] : memref<1024x1xf32, #tpu.memory_space<vmem>>, vector<1024x1xf32>
      %add3A_46 = vector.broadcast %get3A_45 : vector<1024x1xf32> to vector<1024x512xf32>
      %add3A_47 = arith.addf %dot_general3A_42, %add3A_46 : vector<1024x512xf32>
      %swap3A_48 = arith.constant 0 : index
      %swap3A_49 = arith.constant 512 : index
      %swap3A_50 = vector.load %arg4[%swap3A_48, %swap3A_49] : memref<1024x2048xf32, #tpu.memory_space<vmem>>, vector<1024x512xf32>
      tpu.vector_store %arg4[%swap3A_48, %swap3A_49], %add3A_47 {strides = array<i32>} : memref<1024x2048xf32, #tpu.memory_space<vmem>>, vector<1024x512xf32>,
      %iota3A_51 = tpu.iota {dimensions = array<i32: 0>} : vector<1024x512xi32>
      %mul3A_52 = arith.constant 1024 : i32
      %mul3A_53 = arith.muli %arg0, %mul3A_52 : i32
      %add3A_54 = vector.broadcast %mul3A_53 : i32 to vector<1024x512xi32>
      %add3A_55 = arith.addi %iota3A_51, %add3A_54 : vector<1024x512xi32>
      %lt3A_56 = arith.constant 50265 : i32
      %lt3A_57 = vector.broadcast %lt3A_56 : i32 to vector<1024x512xi32>
      %lt3A_58 = arith.cmpi slt, %add3A_55, %lt3A_57 : vector<1024x512xi32>
      %jit3A_59 = arith.constant 0xFF800000 : f32
      %broadcast_in_dim3A_60 = vector.broadcast %jit3A_59 : f32 to vector<1024x512xf32>
      %select_n3A_61 = arith.select %lt3A_58, %add3A_47, %broadcast_in_dim3A_60 : vector<1024x512xi1>, vector<1024x512xf32>
      %reduce_max3A_62 = arith.constant dense<0xFF800000> : vector<512xf32>
      %reduce_max3A_63 = vector.multi_reduction <maximumf>, %select_n3A_61, %reduce_max3A_62 [0] : vector<1024x512xf32> to vector<512xf32>
      %broadcast_in_dim3A_64 = vector.shape_cast %reduce_max3A_63 : vector<512xf32> to vector<1x512xf32>
      %eq3A_65 = arith.constant 0 : i32
      %eq3A_66 = arith.cmpi eq, %arg0, %eq3A_65 : i32
      %convert_element_type3A_67 = arith.extui %eq3A_66 : i1 to i32
      %cond3A_68 = arith.constant 0 : i32
      %cond3A_69 = arith.cmpi ne, %convert_element_type3A_67, %cond3A_68 : i32
      scf.if %cond3A_69 {
        %swap3A_167 = arith.constant 0 : index
        %swap3A_168 = arith.constant 512 : index
        %swap3A_169 = vector.load %arg7[%swap3A_167, %swap3A_168] : memref<1x2048xf32, #tpu.memory_space<vmem>>, vector<1x512xf32>
        tpu.vector_store %arg7[%swap3A_167, %swap3A_168], %broadcast_in_dim3A_64 {strides = array<i32>} : memref<1x2048xf32, #tpu.memory_space<vmem>>, vector<1x512xf32>,
        %sub3A = vector.broadcast %broadcast_in_dim3A_64 : vector<1x512xf32> to vector<1024x512xf32>
        %sub3A_170 = arith.subf %select_n3A_61, %sub3A : vector<1024x512xf32>
        %exp3A = math.exp %sub3A_170 : vector<1024x512xf32>
        %reduce_sum3A = arith.constant dense<0.000000e+00> : vector<512xf32>
        %reduce_sum3A_171 = vector.multi_reduction <add>, %exp3A, %reduce_sum3A [0] : vector<1024x512xf32> to vector<512xf32>
        %broadcast_in_dim3A_172 = vector.shape_cast %reduce_sum3A_171 : vector<512xf32> to vector<1x512xf32>
        %swap3A_173 = arith.constant 0 : index
        %swap3A_174 = arith.constant 512 : index
        %swap3A_175 = vector.load %arg8[%swap3A_173, %swap3A_174] : memref<1x2048xf32, #tpu.memory_space<vmem>>, vector<1x512xf32>
        tpu.vector_store %arg8[%swap3A_173, %swap3A_174], %broadcast_in_dim3A_172 {strides = array<i32>} : memref<1x2048xf32, #tpu.memory_space<vmem>>, vector<1x512xf32>,
      } else {
      }
      %gt3A_70 = arith.constant 0 : i32
      %gt3A_71 = arith.cmpi sgt, %arg0, %gt3A_70 : i32
      %convert_element_type3A_72 = arith.extui %gt3A_71 : i1 to i32
      %cond3A_73 = arith.constant 0 : i32
      %cond3A_74 = arith.cmpi ne, %convert_element_type3A_72, %cond3A_73 : i32
      scf.if %cond3A_74 {
        %get3A_167 = arith.constant 0 : index
        %get3A_168 = arith.constant 512 : index
        %get3A_169 = vector.load %arg7[%get3A_167, %get3A_168] : memref<1x2048xf32, #tpu.memory_space<vmem>>, vector<1x512xf32>
        %max3A = arith.maximumf %get3A_169, %broadcast_in_dim3A_64 : vector<1x512xf32>
        %get3A_170 = arith.constant 0 : index
        %get3A_171 = arith.constant 512 : index
        %get3A_172 = vector.load %arg8[%get3A_170, %get3A_171] : memref<1x2048xf32, #tpu.memory_space<vmem>>, vector<1x512xf32>
        %sub3A = arith.subf %get3A_169, %max3A : vector<1x512xf32>
        %exp3A = math.exp %sub3A : vector<1x512xf32>
        %mul3A_173 = arith.mulf %get3A_172, %exp3A : vector<1x512xf32>
        %sub3A_174 = vector.broadcast %max3A : vector<1x512xf32> to vector<1024x512xf32>
        %sub3A_175 = arith.subf %select_n3A_61, %sub3A_174 : vector<1024x512xf32>
        %exp3A_176 = math.exp %sub3A_175 : vector<1024x512xf32>
        %reduce_sum3A = arith.constant dense<0.000000e+00> : vector<512xf32>
        %reduce_sum3A_177 = vector.multi_reduction <add>, %exp3A_176, %reduce_sum3A [0] : vector<1024x512xf32> to vector<512xf32>
        %broadcast_in_dim3A_178 = vector.shape_cast %reduce_sum3A_177 : vector<512xf32> to vector<1x512xf32>
        %add3A_179 = arith.addf %mul3A_173, %broadcast_in_dim3A_178 : vector<1x512xf32>
        %swap3A_180 = arith.constant 0 : index
        %swap3A_181 = arith.constant 512 : index
        %swap3A_182 = vector.load %arg8[%swap3A_180, %swap3A_181] : memref<1x2048xf32, #tpu.memory_space<vmem>>, vector<1x512xf32>
        tpu.vector_store %arg8[%swap3A_180, %swap3A_181], %add3A_179 {strides = array<i32>} : memref<1x2048xf32, #tpu.memory_space<vmem>>, vector<1x512xf32>,
        %swap3A_183 = arith.constant 0 : index
        %swap3A_184 = arith.constant 512 : index
        %swap3A_185 = vector.load %arg7[%swap3A_183, %swap3A_184] : memref<1x2048xf32, #tpu.memory_space<vmem>>, vector<1x512xf32>
        tpu.vector_store %arg7[%swap3A_183, %swap3A_184], %max3A {strides = array<i32>} : memref<1x2048xf32, #tpu.memory_space<vmem>>, vector<1x512xf32>,
      } else {
      }
      %get3A_75 = arith.constant 0 : index
      %get3A_76 = arith.constant 0 : index
      %get3A_77 = vector.load %arg2[%get3A_75, %get3A_76] : memref<1024x1024xf32, #tpu.memory_space<vmem>>, vector<1024x1024xf32>
      %get3A_78 = arith.constant 1024 : index
      %get3A_79 = arith.constant 0 : index
      %get3A_80 = vector.load %arg1[%get3A_78, %get3A_79] : memref<2048x1024xf32, #tpu.memory_space<vmem>>, vector<512x1024xf32>
      %dot_general3A_81 = arith.constant dense<0.000000e+00> : vector<1024x512xf32>
      %dot_general3A_82 = tpu.matmul %get3A_77, %get3A_80, %dot_general3A_81 {dimension_numbers = #tpu.dot_dimension_numbers<[1], [1], [0], [0], [0, 0, 1, 0], [], []>, transpose_lhs_hint = false} : vector<1024x1024xf32>, vector<512x1024xf32>, vector<1024x512xf32> -> vector<1024x512xf32>
      %get3A_83 = arith.constant 0 : index
      %get3A_84 = arith.constant 0 : index
      %get3A_85 = vector.load %arg3[%get3A_83, %get3A_84] : memref<1024x1xf32, #tpu.memory_space<vmem>>, vector<1024x1xf32>
      %add3A_86 = vector.broadcast %get3A_85 : vector<1024x1xf32> to vector<1024x512xf32>
      %add3A_87 = arith.addf %dot_general3A_82, %add3A_86 : vector<1024x512xf32>
      %swap3A_88 = arith.constant 0 : index
      %swap3A_89 = arith.constant 1024 : index
      %swap3A_90 = vector.load %arg4[%swap3A_88, %swap3A_89] : memref<1024x2048xf32, #tpu.memory_space<vmem>>, vector<1024x512xf32>
      tpu.vector_store %arg4[%swap3A_88, %swap3A_89], %add3A_87 {strides = array<i32>} : memref<1024x2048xf32, #tpu.memory_space<vmem>>, vector<1024x512xf32>,
      %iota3A_91 = tpu.iota {dimensions = array<i32: 0>} : vector<1024x512xi32>
      %mul3A_92 = arith.constant 1024 : i32
      %mul3A_93 = arith.muli %arg0, %mul3A_92 : i32
      %add3A_94 = vector.broadcast %mul3A_93 : i32 to vector<1024x512xi32>
      %add3A_95 = arith.addi %iota3A_91, %add3A_94 : vector<1024x512xi32>
      %lt3A_96 = arith.constant 50265 : i32
      %lt3A_97 = vector.broadcast %lt3A_96 : i32 to vector<1024x512xi32>
      %lt3A_98 = arith.cmpi slt, %add3A_95, %lt3A_97 : vector<1024x512xi32>
      %jit3A_99 = arith.constant 0xFF800000 : f32
      %broadcast_in_dim3A_100 = vector.broadcast %jit3A_99 : f32 to vector<1024x512xf32>
      %select_n3A_101 = arith.select %lt3A_98, %add3A_87, %broadcast_in_dim3A_100 : vector<1024x512xi1>, vector<1024x512xf32>
      %reduce_max3A_102 = arith.constant dense<0xFF800000> : vector<512xf32>
      %reduce_max3A_103 = vector.multi_reduction <maximumf>, %select_n3A_101, %reduce_max3A_102 [0] : vector<1024x512xf32> to vector<512xf32>
      %broadcast_in_dim3A_104 = vector.shape_cast %reduce_max3A_103 : vector<512xf32> to vector<1x512xf32>
      %eq3A_105 = arith.constant 0 : i32
      %eq3A_106 = arith.cmpi eq, %arg0, %eq3A_105 : i32
      %convert_element_type3A_107 = arith.extui %eq3A_106 : i1 to i32
      %cond3A_108 = arith.constant 0 : i32
      %cond3A_109 = arith.cmpi ne, %convert_element_type3A_107, %cond3A_108 : i32
      scf.if %cond3A_109 {
        %swap3A_167 = arith.constant 0 : index
        %swap3A_168 = arith.constant 1024 : index
        %swap3A_169 = vector.load %arg7[%swap3A_167, %swap3A_168] : memref<1x2048xf32, #tpu.memory_space<vmem>>, vector<1x512xf32>
        tpu.vector_store %arg7[%swap3A_167, %swap3A_168], %broadcast_in_dim3A_104 {strides = array<i32>} : memref<1x2048xf32, #tpu.memory_space<vmem>>, vector<1x512xf32>,
        %sub3A = vector.broadcast %broadcast_in_dim3A_104 : vector<1x512xf32> to vector<1024x512xf32>
        %sub3A_170 = arith.subf %select_n3A_101, %sub3A : vector<1024x512xf32>
        %exp3A = math.exp %sub3A_170 : vector<1024x512xf32>
        %reduce_sum3A = arith.constant dense<0.000000e+00> : vector<512xf32>
        %reduce_sum3A_171 = vector.multi_reduction <add>, %exp3A, %reduce_sum3A [0] : vector<1024x512xf32> to vector<512xf32>
        %broadcast_in_dim3A_172 = vector.shape_cast %reduce_sum3A_171 : vector<512xf32> to vector<1x512xf32>
        %swap3A_173 = arith.constant 0 : index
        %swap3A_174 = arith.constant 1024 : index
        %swap3A_175 = vector.load %arg8[%swap3A_173, %swap3A_174] : memref<1x2048xf32, #tpu.memory_space<vmem>>, vector<1x512xf32>
        tpu.vector_store %arg8[%swap3A_173, %swap3A_174], %broadcast_in_dim3A_172 {strides = array<i32>} : memref<1x2048xf32, #tpu.memory_space<vmem>>, vector<1x512xf32>,
      } else {
      }
      %gt3A_110 = arith.constant 0 : i32
      %gt3A_111 = arith.cmpi sgt, %arg0, %gt3A_110 : i32
      %convert_element_type3A_112 = arith.extui %gt3A_111 : i1 to i32
      %cond3A_113 = arith.constant 0 : i32
      %cond3A_114 = arith.cmpi ne, %convert_element_type3A_112, %cond3A_113 : i32
      scf.if %cond3A_114 {
        %get3A_167 = arith.constant 0 : index
        %get3A_168 = arith.constant 1024 : index
        %get3A_169 = vector.load %arg7[%get3A_167, %get3A_168] : memref<1x2048xf32, #tpu.memory_space<vmem>>, vector<1x512xf32>
        %max3A = arith.maximumf %get3A_169, %broadcast_in_dim3A_104 : vector<1x512xf32>
        %get3A_170 = arith.constant 0 : index
        %get3A_171 = arith.constant 1024 : index
        %get3A_172 = vector.load %arg8[%get3A_170, %get3A_171] : memref<1x2048xf32, #tpu.memory_space<vmem>>, vector<1x512xf32>
        %sub3A = arith.subf %get3A_169, %max3A : vector<1x512xf32>
        %exp3A = math.exp %sub3A : vector<1x512xf32>
        %mul3A_173 = arith.mulf %get3A_172, %exp3A : vector<1x512xf32>
        %sub3A_174 = vector.broadcast %max3A : vector<1x512xf32> to vector<1024x512xf32>
        %sub3A_175 = arith.subf %select_n3A_101, %sub3A_174 : vector<1024x512xf32>
        %exp3A_176 = math.exp %sub3A_175 : vector<1024x512xf32>
        %reduce_sum3A = arith.constant dense<0.000000e+00> : vector<512xf32>
        %reduce_sum3A_177 = vector.multi_reduction <add>, %exp3A_176, %reduce_sum3A [0] : vector<1024x512xf32> to vector<512xf32>
        %broadcast_in_dim3A_178 = vector.shape_cast %reduce_sum3A_177 : vector<512xf32> to vector<1x512xf32>
        %add3A_179 = arith.addf %mul3A_173, %broadcast_in_dim3A_178 : vector<1x512xf32>
        %swap3A_180 = arith.constant 0 : index
        %swap3A_181 = arith.constant 1024 : index
        %swap3A_182 = vector.load %arg8[%swap3A_180, %swap3A_181] : memref<1x2048xf32, #tpu.memory_space<vmem>>, vector<1x512xf32>
        tpu.vector_store %arg8[%swap3A_180, %swap3A_181], %add3A_179 {strides = array<i32>} : memref<1x2048xf32, #tpu.memory_space<vmem>>, vector<1x512xf32>,
        %swap3A_183 = arith.constant 0 : index
        %swap3A_184 = arith.constant 1024 : index
        %swap3A_185 = vector.load %arg7[%swap3A_183, %swap3A_184] : memref<1x2048xf32, #tpu.memory_space<vmem>>, vector<1x512xf32>
        tpu.vector_store %arg7[%swap3A_183, %swap3A_184], %max3A {strides = array<i32>} : memref<1x2048xf32, #tpu.memory_space<vmem>>, vector<1x512xf32>,
      } else {
      }
      %get3A_115 = arith.constant 0 : index
      %get3A_116 = arith.constant 0 : index
      %get3A_117 = vector.load %arg2[%get3A_115, %get3A_116] : memref<1024x1024xf32, #tpu.memory_space<vmem>>, vector<1024x1024xf32>
      %get3A_118 = arith.constant 1536 : index
      %get3A_119 = arith.constant 0 : index
      %get3A_120 = vector.load %arg1[%get3A_118, %get3A_119] : memref<2048x1024xf32, #tpu.memory_space<vmem>>, vector<512x1024xf32>
      %dot_general3A_121 = arith.constant dense<0.000000e+00> : vector<1024x512xf32>
      %dot_general3A_122 = tpu.matmul %get3A_117, %get3A_120, %dot_general3A_121 {dimension_numbers = #tpu.dot_dimension_numbers<[1], [1], [0], [0], [0, 0, 1, 0], [], []>, transpose_lhs_hint = false} : vector<1024x1024xf32>, vector<512x1024xf32>, vector<1024x512xf32> -> vector<1024x512xf32>
      %get3A_123 = arith.constant 0 : index
      %get3A_124 = arith.constant 0 : index
      %get3A_125 = vector.load %arg3[%get3A_123, %get3A_124] : memref<1024x1xf32, #tpu.memory_space<vmem>>, vector<1024x1xf32>
      %add3A_126 = vector.broadcast %get3A_125 : vector<1024x1xf32> to vector<1024x512xf32>
      %add3A_127 = arith.addf %dot_general3A_122, %add3A_126 : vector<1024x512xf32>
      %swap3A_128 = arith.constant 0 : index
      %swap3A_129 = arith.constant 1536 : index
      %swap3A_130 = vector.load %arg4[%swap3A_128, %swap3A_129] : memref<1024x2048xf32, #tpu.memory_space<vmem>>, vector<1024x512xf32>
      tpu.vector_store %arg4[%swap3A_128, %swap3A_129], %add3A_127 {strides = array<i32>} : memref<1024x2048xf32, #tpu.memory_space<vmem>>, vector<1024x512xf32>,
      %iota3A_131 = tpu.iota {dimensions = array<i32: 0>} : vector<1024x512xi32>
      %mul3A_132 = arith.constant 1024 : i32
      %mul3A_133 = arith.muli %arg0, %mul3A_132 : i32
      %add3A_134 = vector.broadcast %mul3A_133 : i32 to vector<1024x512xi32>
      %add3A_135 = arith.addi %iota3A_131, %add3A_134 : vector<1024x512xi32>
      %lt3A_136 = arith.constant 50265 : i32
      %lt3A_137 = vector.broadcast %lt3A_136 : i32 to vector<1024x512xi32>
      %lt3A_138 = arith.cmpi slt, %add3A_135, %lt3A_137 : vector<1024x512xi32>
      %jit3A_139 = arith.constant 0xFF800000 : f32
      %broadcast_in_dim3A_140 = vector.broadcast %jit3A_139 : f32 to vector<1024x512xf32>
      %select_n3A_141 = arith.select %lt3A_138, %add3A_127, %broadcast_in_dim3A_140 : vector<1024x512xi1>, vector<1024x512xf32>
      %reduce_max3A_142 = arith.constant dense<0xFF800000> : vector<512xf32>
      %reduce_max3A_143 = vector.multi_reduction <maximumf>, %select_n3A_141, %reduce_max3A_142 [0] : vector<1024x512xf32> to vector<512xf32>
      %broadcast_in_dim3A_144 = vector.shape_cast %reduce_max3A_143 : vector<512xf32> to vector<1x512xf32>
      %eq3A_145 = arith.constant 0 : i32
      %eq3A_146 = arith.cmpi eq, %arg0, %eq3A_145 : i32
      %convert_element_type3A_147 = arith.extui %eq3A_146 : i1 to i32
      %cond3A_148 = arith.constant 0 : i32
      %cond3A_149 = arith.cmpi ne, %convert_element_type3A_147, %cond3A_148 : i32
      scf.if %cond3A_149 {
        %swap3A_167 = arith.constant 0 : index
        %swap3A_168 = arith.constant 1536 : index
        %swap3A_169 = vector.load %arg7[%swap3A_167, %swap3A_168] : memref<1x2048xf32, #tpu.memory_space<vmem>>, vector<1x512xf32>
        tpu.vector_store %arg7[%swap3A_167, %swap3A_168], %broadcast_in_dim3A_144 {strides = array<i32>} : memref<1x2048xf32, #tpu.memory_space<vmem>>, vector<1x512xf32>,
        %sub3A = vector.broadcast %broadcast_in_dim3A_144 : vector<1x512xf32> to vector<1024x512xf32>
        %sub3A_170 = arith.subf %select_n3A_141, %sub3A : vector<1024x512xf32>
        %exp3A = math.exp %sub3A_170 : vector<1024x512xf32>
        %reduce_sum3A = arith.constant dense<0.000000e+00> : vector<512xf32>
        %reduce_sum3A_171 = vector.multi_reduction <add>, %exp3A, %reduce_sum3A [0] : vector<1024x512xf32> to vector<512xf32>
        %broadcast_in_dim3A_172 = vector.shape_cast %reduce_sum3A_171 : vector<512xf32> to vector<1x512xf32>
        %swap3A_173 = arith.constant 0 : index
        %swap3A_174 = arith.constant 1536 : index
        %swap3A_175 = vector.load %arg8[%swap3A_173, %swap3A_174] : memref<1x2048xf32, #tpu.memory_space<vmem>>, vector<1x512xf32>
        tpu.vector_store %arg8[%swap3A_173, %swap3A_174], %broadcast_in_dim3A_172 {strides = array<i32>} : memref<1x2048xf32, #tpu.memory_space<vmem>>, vector<1x512xf32>,
      } else {
      }
      %gt3A_150 = arith.constant 0 : i32
      %gt3A_151 = arith.cmpi sgt, %arg0, %gt3A_150 : i32
      %convert_element_type3A_152 = arith.extui %gt3A_151 : i1 to i32
      %cond3A_153 = arith.constant 0 : i32
      %cond3A_154 = arith.cmpi ne, %convert_element_type3A_152, %cond3A_153 : i32
      scf.if %cond3A_154 {
        %get3A_167 = arith.constant 0 : index
        %get3A_168 = arith.constant 1536 : index
        %get3A_169 = vector.load %arg7[%get3A_167, %get3A_168] : memref<1x2048xf32, #tpu.memory_space<vmem>>, vector<1x512xf32>
        %max3A = arith.maximumf %get3A_169, %broadcast_in_dim3A_144 : vector<1x512xf32>
        %get3A_170 = arith.constant 0 : index
        %get3A_171 = arith.constant 1536 : index
        %get3A_172 = vector.load %arg8[%get3A_170, %get3A_171] : memref<1x2048xf32, #tpu.memory_space<vmem>>, vector<1x512xf32>
        %sub3A = arith.subf %get3A_169, %max3A : vector<1x512xf32>
        %exp3A = math.exp %sub3A : vector<1x512xf32>
        %mul3A_173 = arith.mulf %get3A_172, %exp3A : vector<1x512xf32>
        %sub3A_174 = vector.broadcast %max3A : vector<1x512xf32> to vector<1024x512xf32>
        %sub3A_175 = arith.subf %select_n3A_141, %sub3A_174 : vector<1024x512xf32>
        %exp3A_176 = math.exp %sub3A_175 : vector<1024x512xf32>
        %reduce_sum3A = arith.constant dense<0.000000e+00> : vector<512xf32>
        %reduce_sum3A_177 = vector.multi_reduction <add>, %exp3A_176, %reduce_sum3A [0] : vector<1024x512xf32> to vector<512xf32>
        %broadcast_in_dim3A_178 = vector.shape_cast %reduce_sum3A_177 : vector<512xf32> to vector<1x512xf32>
        %add3A_179 = arith.addf %mul3A_173, %broadcast_in_dim3A_178 : vector<1x512xf32>
        %swap3A_180 = arith.constant 0 : index
        %swap3A_181 = arith.constant 1536 : index
        %swap3A_182 = vector.load %arg8[%swap3A_180, %swap3A_181] : memref<1x2048xf32, #tpu.memory_space<vmem>>, vector<1x512xf32>
        tpu.vector_store %arg8[%swap3A_180, %swap3A_181], %add3A_179 {strides = array<i32>} : memref<1x2048xf32, #tpu.memory_space<vmem>>, vector<1x512xf32>,
        %swap3A_183 = arith.constant 0 : index
        %swap3A_184 = arith.constant 1536 : index
        %swap3A_185 = vector.load %arg7[%swap3A_183, %swap3A_184] : memref<1x2048xf32, #tpu.memory_space<vmem>>, vector<1x512xf32>
        tpu.vector_store %arg7[%swap3A_183, %swap3A_184], %max3A {strides = array<i32>} : memref<1x2048xf32, #tpu.memory_space<vmem>>, vector<1x512xf32>,
      } else {
      }
      %get3A_155 = arith.constant 0 : index
      %get3A_156 = arith.constant 0 : index
      %get3A_157 = vector.load %arg7[%get3A_155, %get3A_156] : memref<1x2048xf32, #tpu.memory_space<vmem>>, vector<1x2048xf32>
      %swap3A_158 = arith.constant 0 : index
      %swap3A_159 = arith.constant 0 : index
      %swap3A_160 = vector.load %arg5[%swap3A_158, %swap3A_159] : memref<1x2048xf32, #tpu.memory_space<vmem>>, vector<1x2048xf32>
      tpu.vector_store %arg5[%swap3A_158, %swap3A_159], %get3A_157 {strides = array<i32>} : memref<1x2048xf32, #tpu.memory_space<vmem>>, vector<1x2048xf32>,
      %get3A_161 = arith.constant 0 : index
      %get3A_162 = arith.constant 0 : index
      %get3A_163 = vector.load %arg8[%get3A_161, %get3A_162] : memref<1x2048xf32, #tpu.memory_space<vmem>>, vector<1x2048xf32>
      %swap3A_164 = arith.constant 0 : index
      %swap3A_165 = arith.constant 0 : index
      %swap3A_166 = vector.load %arg6[%swap3A_164, %swap3A_165] : memref<1x2048xf32, #tpu.memory_space<vmem>>, vector<1x2048xf32>
      tpu.vector_store %arg6[%swap3A_164, %swap3A_165], %get3A_163 {strides = array<i32>} : memref<1x2048xf32, #tpu.memory_space<vmem>>, vector<1x2048xf32>,
    } else {
    }
    return
  }
  func.func @transform_0(%arg0: i32) -> (i32, i32) {
    %c0_i32 = arith.constant 0 : i32
    %c0_i32_0 = arith.constant 0 : i32
    %c0_i32_1 = arith.constant 0 : i32
    return %c0_i32, %c0_i32_0 : i32, i32
  }
  func.func @transform_1(%arg0: i32) -> (i32, i32) {
    %c0_i32 = arith.constant 0 : i32
    %c0_i32_0 = arith.constant 0 : i32
    return %arg0, %c0_i32 : i32, i32
  }
  func.func @transform_2(%arg0: i32) -> (i32, i32) {
    %c0_i32 = arith.constant 0 : i32
    %c0_i32_0 = arith.constant 0 : i32
    return %arg0, %c0_i32 : i32, i32
  }
  func.func @transform_3(%arg0: i32) -> (i32, i32) {
    %c0_i32 = arith.constant 0 : i32
    %c0_i32_0 = arith.constant 0 : i32
    return %arg0, %c0_i32 : i32, i32
  }
  func.func @transform_4(%arg0: i32) -> (i32, i32) {
    %c0_i32 = arith.constant 0 : i32
    %c0_i32_0 = arith.constant 0 : i32
    %c0_i32_1 = arith.constant 0 : i32
    return %c0_i32, %c0_i32_0 : i32, i32
  }
  func.func @transform_5(%arg0: i32) -> (i32, i32) {
    %c0_i32 = arith.constant 0 : i32
    %c0_i32_0 = arith.constant 0 : i32
    %c0_i32_1 = arith.constant 0 : i32
    return %c0_i32, %c0_i32_0 : i32, i32
  }
}

module attributes {stable_mosaic.version = 14 : i64} {
  func.func @_loss_body(%arg0: i32, %arg1: memref<2048x2048xf32, #tpu.memory_space<vmem>>, %arg2: memref<1x2048xf32, #tpu.memory_space<vmem>>, %arg3: memref<1x2048xf32, #tpu.memory_space<vmem>>, %arg4: memref<1x1xf32, #tpu.memory_space<vmem>>) attributes {dimension_semantics = [#tpu.dimension_semantics<arbitrary>], iteration_bounds = array<i64: 1>, scalar_prefetch = 0 : i64, scratch_operands = 0 : i64, tpu.core_type = #tpu.core_type<tc>, window_params = [{pipeline_mode = #tpu.pipeline_mode<synchronous>, transform_indices = @transform_0, window_bounds = array<i64: 2048, 2048>}, {pipeline_mode = #tpu.pipeline_mode<synchronous>, transform_indices = @transform_1, window_bounds = array<i64: 1, 2048>}, {pipeline_mode = #tpu.pipeline_mode<synchronous>, transform_indices = @transform_2, window_bounds = array<i64: 1, 2048>}, {pipeline_mode = #tpu.pipeline_mode<synchronous>, transform_indices = @transform_3, window_bounds = array<i64: 1, 1>}]} {
    %broadcast_in_dim3A = arith.constant 0.000000e+00 : f32
    %broadcast_in_dim3A_0 = vector.broadcast %broadcast_in_dim3A : f32 to vector<1x512xf32>
    %iota3A = tpu.iota {dimensions = array<i32: 1>} : vector<512x512xi32>
    %add3A = arith.constant 0 : i32
    %add3A_1 = vector.broadcast %add3A : i32 to vector<512x512xi32>
    %add3A_2 = arith.addi %iota3A, %add3A_1 : vector<512x512xi32>
    %iota3A_3 = tpu.iota {dimensions = array<i32: 0>} : vector<512x512xi32>
    %add3A_4 = arith.constant 0 : i32
    %add3A_5 = vector.broadcast %add3A_4 : i32 to vector<512x512xi32>
    %add3A_6 = arith.addi %iota3A_3, %add3A_5 : vector<512x512xi32>
    %eq3A = arith.cmpi eq, %add3A_2, %add3A_6 : vector<512x512xi32>
    %get3A = arith.constant 0 : index
    %get3A_7 = arith.constant 0 : index
    %get3A_8 = vector.load %arg1[%get3A, %get3A_7] : memref<2048x2048xf32, #tpu.memory_space<vmem>>, vector<512x512xf32>
    %jit3A = arith.constant 0.000000e+00 : f32
    %broadcast_in_dim3A_9 = vector.broadcast %jit3A : f32 to vector<512x512xf32>
    %select_n3A = arith.select %eq3A, %get3A_8, %broadcast_in_dim3A_9 : vector<512x512xi1>, vector<512x512xf32>
    %reduce_sum3A = arith.constant dense<0.000000e+00> : vector<512xf32>
    %reduce_sum3A_10 = vector.multi_reduction <add>, %select_n3A, %reduce_sum3A [0] : vector<512x512xf32> to vector<512xf32>
    %broadcast_in_dim3A_11 = vector.shape_cast %reduce_sum3A_10 : vector<512xf32> to vector<1x512xf32>
    %get3A_12 = arith.constant 0 : index
    %get3A_13 = arith.constant 0 : index
    %get3A_14 = vector.load %arg3[%get3A_12, %get3A_13] : memref<1x2048xf32, #tpu.memory_space<vmem>>, vector<1x512xf32>
    %log3A = math.log %get3A_14 : vector<1x512xf32>
    %get3A_15 = arith.constant 0 : index
    %get3A_16 = arith.constant 0 : index
    %get3A_17 = vector.load %arg2[%get3A_15, %get3A_16] : memref<1x2048xf32, #tpu.memory_space<vmem>>, vector<1x512xf32>
    %add3A_18 = arith.addf %log3A, %get3A_17 : vector<1x512xf32>
    %sub3A = arith.subf %add3A_18, %broadcast_in_dim3A_11 : vector<1x512xf32>
    %add3A_19 = arith.addf %broadcast_in_dim3A_0, %sub3A : vector<1x512xf32>
    %iota3A_20 = tpu.iota {dimensions = array<i32: 1>} : vector<512x512xi32>
    %add3A_21 = arith.constant 512 : i32
    %add3A_22 = vector.broadcast %add3A_21 : i32 to vector<512x512xi32>
    %add3A_23 = arith.addi %iota3A_20, %add3A_22 : vector<512x512xi32>
    %iota3A_24 = tpu.iota {dimensions = array<i32: 0>} : vector<512x512xi32>
    %add3A_25 = arith.constant 512 : i32
    %add3A_26 = vector.broadcast %add3A_25 : i32 to vector<512x512xi32>
    %add3A_27 = arith.addi %iota3A_24, %add3A_26 : vector<512x512xi32>
    %eq3A_28 = arith.cmpi eq, %add3A_23, %add3A_27 : vector<512x512xi32>
    %get3A_29 = arith.constant 512 : index
    %get3A_30 = arith.constant 512 : index
    %get3A_31 = vector.load %arg1[%get3A_29, %get3A_30] : memref<2048x2048xf32, #tpu.memory_space<vmem>>, vector<512x512xf32>
    %jit3A_32 = arith.constant 0.000000e+00 : f32
    %broadcast_in_dim3A_33 = vector.broadcast %jit3A_32 : f32 to vector<512x512xf32>
    %select_n3A_34 = arith.select %eq3A_28, %get3A_31, %broadcast_in_dim3A_33 : vector<512x512xi1>, vector<512x512xf32>
    %reduce_sum3A_35 = arith.constant dense<0.000000e+00> : vector<512xf32>
    %reduce_sum3A_36 = vector.multi_reduction <add>, %select_n3A_34, %reduce_sum3A_35 [0] : vector<512x512xf32> to vector<512xf32>
    %broadcast_in_dim3A_37 = vector.shape_cast %reduce_sum3A_36 : vector<512xf32> to vector<1x512xf32>
    %get3A_38 = arith.constant 0 : index
    %get3A_39 = arith.constant 512 : index
    %get3A_40 = vector.load %arg3[%get3A_38, %get3A_39] : memref<1x2048xf32, #tpu.memory_space<vmem>>, vector<1x512xf32>
    %log3A_41 = math.log %get3A_40 : vector<1x512xf32>
    %get3A_42 = arith.constant 0 : index
    %get3A_43 = arith.constant 512 : index
    %get3A_44 = vector.load %arg2[%get3A_42, %get3A_43] : memref<1x2048xf32, #tpu.memory_space<vmem>>, vector<1x512xf32>
    %add3A_45 = arith.addf %log3A_41, %get3A_44 : vector<1x512xf32>
    %sub3A_46 = arith.subf %add3A_45, %broadcast_in_dim3A_37 : vector<1x512xf32>
    %add3A_47 = arith.addf %add3A_19, %sub3A_46 : vector<1x512xf32>
    %iota3A_48 = tpu.iota {dimensions = array<i32: 1>} : vector<512x512xi32>
    %add3A_49 = arith.constant 1024 : i32
    %add3A_50 = vector.broadcast %add3A_49 : i32 to vector<512x512xi32>
    %add3A_51 = arith.addi %iota3A_48, %add3A_50 : vector<512x512xi32>
    %iota3A_52 = tpu.iota {dimensions = array<i32: 0>} : vector<512x512xi32>
    %add3A_53 = arith.constant 1024 : i32
    %add3A_54 = vector.broadcast %add3A_53 : i32 to vector<512x512xi32>
    %add3A_55 = arith.addi %iota3A_52, %add3A_54 : vector<512x512xi32>
    %eq3A_56 = arith.cmpi eq, %add3A_51, %add3A_55 : vector<512x512xi32>
    %get3A_57 = arith.constant 1024 : index
    %get3A_58 = arith.constant 1024 : index
    %get3A_59 = vector.load %arg1[%get3A_57, %get3A_58] : memref<2048x2048xf32, #tpu.memory_space<vmem>>, vector<512x512xf32>
    %jit3A_60 = arith.constant 0.000000e+00 : f32
    %broadcast_in_dim3A_61 = vector.broadcast %jit3A_60 : f32 to vector<512x512xf32>
    %select_n3A_62 = arith.select %eq3A_56, %get3A_59, %broadcast_in_dim3A_61 : vector<512x512xi1>, vector<512x512xf32>
    %reduce_sum3A_63 = arith.constant dense<0.000000e+00> : vector<512xf32>
    %reduce_sum3A_64 = vector.multi_reduction <add>, %select_n3A_62, %reduce_sum3A_63 [0] : vector<512x512xf32> to vector<512xf32>
    %broadcast_in_dim3A_65 = vector.shape_cast %reduce_sum3A_64 : vector<512xf32> to vector<1x512xf32>
    %get3A_66 = arith.constant 0 : index
    %get3A_67 = arith.constant 1024 : index
    %get3A_68 = vector.load %arg3[%get3A_66, %get3A_67] : memref<1x2048xf32, #tpu.memory_space<vmem>>, vector<1x512xf32>
    %log3A_69 = math.log %get3A_68 : vector<1x512xf32>
    %get3A_70 = arith.constant 0 : index
    %get3A_71 = arith.constant 1024 : index
    %get3A_72 = vector.load %arg2[%get3A_70, %get3A_71] : memref<1x2048xf32, #tpu.memory_space<vmem>>, vector<1x512xf32>
    %add3A_73 = arith.addf %log3A_69, %get3A_72 : vector<1x512xf32>
    %sub3A_74 = arith.subf %add3A_73, %broadcast_in_dim3A_65 : vector<1x512xf32>
    %add3A_75 = arith.addf %add3A_47, %sub3A_74 : vector<1x512xf32>
    %iota3A_76 = tpu.iota {dimensions = array<i32: 1>} : vector<512x512xi32>
    %add3A_77 = arith.constant 1536 : i32
    %add3A_78 = vector.broadcast %add3A_77 : i32 to vector<512x512xi32>
    %add3A_79 = arith.addi %iota3A_76, %add3A_78 : vector<512x512xi32>
    %iota3A_80 = tpu.iota {dimensions = array<i32: 0>} : vector<512x512xi32>
    %add3A_81 = arith.constant 1536 : i32
    %add3A_82 = vector.broadcast %add3A_81 : i32 to vector<512x512xi32>
    %add3A_83 = arith.addi %iota3A_80, %add3A_82 : vector<512x512xi32>
    %eq3A_84 = arith.cmpi eq, %add3A_79, %add3A_83 : vector<512x512xi32>
    %get3A_85 = arith.constant 1536 : index
    %get3A_86 = arith.constant 1536 : index
    %get3A_87 = vector.load %arg1[%get3A_85, %get3A_86] : memref<2048x2048xf32, #tpu.memory_space<vmem>>, vector<512x512xf32>
    %jit3A_88 = arith.constant 0.000000e+00 : f32
    %broadcast_in_dim3A_89 = vector.broadcast %jit3A_88 : f32 to vector<512x512xf32>
    %select_n3A_90 = arith.select %eq3A_84, %get3A_87, %broadcast_in_dim3A_89 : vector<512x512xi1>, vector<512x512xf32>
    %reduce_sum3A_91 = arith.constant dense<0.000000e+00> : vector<512xf32>
    %reduce_sum3A_92 = vector.multi_reduction <add>, %select_n3A_90, %reduce_sum3A_91 [0] : vector<512x512xf32> to vector<512xf32>
    %broadcast_in_dim3A_93 = vector.shape_cast %reduce_sum3A_92 : vector<512xf32> to vector<1x512xf32>
    %get3A_94 = arith.constant 0 : index
    %get3A_95 = arith.constant 1536 : index
    %get3A_96 = vector.load %arg3[%get3A_94, %get3A_95] : memref<1x2048xf32, #tpu.memory_space<vmem>>, vector<1x512xf32>
    %log3A_97 = math.log %get3A_96 : vector<1x512xf32>
    %get3A_98 = arith.constant 0 : index
    %get3A_99 = arith.constant 1536 : index
    %get3A_100 = vector.load %arg2[%get3A_98, %get3A_99] : memref<1x2048xf32, #tpu.memory_space<vmem>>, vector<1x512xf32>
    %add3A_101 = arith.addf %log3A_97, %get3A_100 : vector<1x512xf32>
    %sub3A_102 = arith.subf %add3A_101, %broadcast_in_dim3A_93 : vector<1x512xf32>
    %add3A_103 = arith.addf %add3A_75, %sub3A_102 : vector<1x512xf32>
    %reduce_sum3A_104 = vector.shape_cast %add3A_103 : vector<1x512xf32> to vector<1x1x512xf32>
    %reduce_sum3A_105 = arith.constant dense<0.000000e+00> : vector<1xf32>
    %reduce_sum3A_106 = vector.multi_reduction <add>, %reduce_sum3A_104, %reduce_sum3A_105 [1, 2] : vector<1x1x512xf32> to vector<1xf32>
    %reduce_sum3A_107 = vector.shape_cast %reduce_sum3A_106 : vector<1xf32> to vector<1x1x1xf32>
    %reduce_sum3A_108 = vector.extract %reduce_sum3A_107[0, 0, 0] : f32 from vector<1x1x1xf32>
    %div3A = arith.constant 2.048000e+03 : f32
    %div3A_109 = arith.divf %reduce_sum3A_108, %div3A : f32
    %reshape3A = vector.broadcast %div3A_109 : f32 to vector<1x1xf32>
    %swap3A = arith.constant 0 : index
    %swap3A_110 = arith.constant 0 : index
    %swap3A_111 = vector.load %arg4[%swap3A, %swap3A_110] : memref<1x1xf32, #tpu.memory_space<vmem>>, vector<1x1xf32>
    tpu.vector_store %arg4[%swap3A, %swap3A_110], %reshape3A {strides = array<i32>} : memref<1x1xf32, #tpu.memory_space<vmem>>, vector<1x1xf32>,
    return
  }
  func.func @transform_0(%arg0: i32) -> (i32, i32) {
    %c0_i32 = arith.constant 0 : i32
    %c0_i32_0 = arith.constant 0 : i32
    %c0_i32_1 = arith.constant 0 : i32
    return %c0_i32, %c0_i32_0 : i32, i32
  }
  func.func @transform_1(%arg0: i32) -> (i32, i32) {
    %c0_i32 = arith.constant 0 : i32
    %c0_i32_0 = arith.constant 0 : i32
    %c0_i32_1 = arith.constant 0 : i32
    return %c0_i32, %c0_i32_0 : i32, i32
  }
  func.func @transform_2(%arg0: i32) -> (i32, i32) {
    %c0_i32 = arith.constant 0 : i32
    %c0_i32_0 = arith.constant 0 : i32
    %c0_i32_1 = arith.constant 0 : i32
    return %c0_i32, %c0_i32_0 : i32, i32
  }
  func.func @transform_3(%arg0: i32) -> (i32, i32) {
    %c0_i32 = arith.constant 0 : i32
    %c0_i32_0 = arith.constant 0 : i32
    %c0_i32_1 = arith.constant 0 : i32
    return %c0_i32, %c0_i32_0 : i32, i32
  }
}

</mosaic_0001>

<sc_bundles>
// kernel: kernel.10.cloned.1.call-start
scs
__scs_entry_jumppad:
0x0: {  	(pc) =	sbr.rel $0x88, $3  }
0x1: {  	(tag) =	ssettag $0x0;
	lr =	simm.s32 $0x1  }
0x2: {  	[smem:$0x3F8E] =	sst lr;
	_ =	strace $0xD0000000  }
0x3: {  	_ = 	snop  }
0x4: {  	_ = 	snop  }
0x5: {  	_ = 	snop  }
0x6: {  	_ = 	snop  }
0x7: {  	_ = 	snop  }
__scs_overlays_trampoline_lowered:
0x8: {  	[smem:$0x3F9D] =	sst s0  }
0x9: {  	[smem:$0x3F9E] =	sst s1  }
0xa: {  	[smem:$0x3F9F] =	sst s2  }
0xb: {  	[smem:$0x3FA0] =	sst s3  }
0xc: {  	[smem:$0x3FA1] =	sst s4  }
0xd: {  	[smem:$0x3FA2] =	sst s5  }
0xe: {  	[smem:$0x3FA3] =	sst s6  }
0xf: {  	[smem:$0x3FA4] =	sst s7  }
0x10: {  	[smem:$0x3FA5] =	sst s8  }
0x11: {  	[smem:$0x3FA6] =	sst s9;
	s0 =	simm.s32 @!p0 $0x0  }
0x12: {  	s1 =	sld [smem:$0x3F8C];
	s0 =	simm.s32 @p0 $0x1  }
0x13: {  	[smem:$0x3FA7] =	sst s0;
	s0 =	simm.s32 @!p1 $0x0  }
0x14: {  	s2 =	sld [smem:$0x3F8B];
	s0 =	simm.s32 @p1 $0x1  }
0x15: {  	[smem:$0x3FA8] =	sst s0;
	s0 =	simm.s32 @!p2 $0x0  }
0x16: {  	s3 =	sld [smem:$0x3FDB];
	s0 =	simm.s32 @p2 $0x1  }
0x17: {  	s4 =	simm.s32 $0x1BF5;
	[smem:$0x3FAA] =	sst s0  }
0x18: {  	s0 =	sld [smem:$0x3F8D];
	_ =	swait.ge [sflag:s4], $0x0  }
0x19: {  	s7 =	sld [smem:$0x3F8E]  }
0x1a: {  	s8 =	sadd.s32 $0xFFFFE003, lr  }
0x1b: {  	s9 =	sadd.s32 $0xFFFFFEF7, lr;
	s5 =	simm.s32 $0xFFFFFFFF;
	p2 =	slt.u32 s8, $0xFFFFF086  }
0x1c: {  	p1 =	slt.u32 s9, $0xF7A;
	s5 =	simm.s32 @!p2 $0x0  }
0x1d: {  	s5 =	simm.s32 @p1 $0x1;
	p0 =	seq.s32 s7, s2  }
0x1e: {  	s7 =	smul.u32 @!p0 $0xF7A, s2;
	p2 =	seq.s32 @!p0 s5, $0x0  }
0x1f: {  	s9 =	smul.u32 $0xF7A, s1;
	s8 =	simm.s32 @!p0 $0x1BF5;
	p2 =	por !p2, p0  }
0x20: {  	[sflag:s8] =	ssyncset.s32 @!p0 $0xFFFFF086;
	s6 =	sadd.s32 @!p0 s3, s7;
	s7 =	simm.s32 @!p0 $0x108  }
0x21: {  	s3 =	sadd.s32 s3, s9;
	s6 =	sadd.s32 @!p0 $0x88, s6;
	s7 =	simm.s32 @p2 $0x1082  }
0x22: {  	[simem:s7], [sflag:s8] =	dma.local @!p0 [hbm:s6], $0xF7A  }
0x23: {  	s9 =	sor.u32 $0xD0000000, s2;
	s6 =	simm.s32 $0x108;
	_ =	swait.ge @!p0 [sflag:s8], $0x0  }
0x24: {  	s3 =	sadd.s32 $0x88, s3;
	s6 =	simm.s32 @!p1 $0x1082;
	[sflag:s4] =	ssyncset.s32 $0xFFFFF086  }
0x25: {  	[simem:s6], [sflag:s4] =	dma.local [hbm:s3], $0xF7A  }
0x26: {  	[smem:$0x3F8E] =	sst s1;
	(tag) =	ssettag s2;
	_ =	strace s9  }
0x27: {  	s1 =	sld [smem:$0x3F9E]  }
0x28: {  	s2 =	sld [smem:$0x3F9F]  }
0x29: {  	s4 =	sld [smem:$0x3FA1]  }
0x2a: {  	p0 =	seq.s32 s5, $0x0;
	s5 =	sld [smem:$0x3FA2]  }
0x2b: {  	s6 =	sld [smem:$0x3FA3]  }
0x2c: {  	s7 =	sld [smem:$0x3FA4]  }
0x2d: {  	s3 =	simm.s32 $0x108;
	s8 =	sld [smem:$0x3FA5]  }
0x2e: {  	s3 =	simm.s32 @!p0 $0x1082;
	s9 =	sld [smem:$0x3FA6]  }
0x2f: {  	lr =	sadd.s32 s0, s3;
	s0 =	sld [smem:$0x3F9D]  }
0x30: {  	s3 =	sld [smem:$0x3FA0]  }
0x31: {  	[smem:$0x3FA9] =	sst s10  }
0x32: {  	s10 =	sld [smem:$0x3FA7];
	_ =	sdelay $0x3  }
0x33: {  	p0 =	seq.s32 s10, $0x1;
	s10 =	sld [smem:$0x3FA9];
	_ =	sdelay $0x3  }
0x34: {  	[smem:$0x3FA9] =	sst s10  }
0x35: {  	s10 =	sld [smem:$0x3FA8];
	_ =	sdelay $0x3  }
0x36: {  	p1 =	seq.s32 s10, $0x1;
	s10 =	sld [smem:$0x3FA9];
	_ =	sdelay $0x3  }
0x37: {  	[smem:$0x3FA9] =	sst s10  }
0x38: {  	s10 =	sld [smem:$0x3FAA]  }
0x39: {  	_ = 	snop;
	(pc) =	sbr.ind lr, $3  }
0x3a: {  	_ = 	snop  }
0x3b: {  	_ = 	snop  }
0x3c: {  	p2 =	seq.s32 s10, $0x1;
	s10 =	sld [smem:$0x3FA9]  }
0x3d: {  	_ =	shalt  }
0x3e: {  	_ =	shalt  }
0x3f: {  	_ =	shalt  }
0x40: {  	_ =	shalt  }
0x41: {  	_ =	shalt  }
0x42: {  	_ =	shalt  }
0x43: {  	_ =	shalt  }
0x44: {  	_ =	shalt  }
0x45: {  	_ =	shalt  }
0x46: {  	_ =	shalt  }
0x47: {  	_ =	shalt  }
0x48: {  	_ =	shalt  }
0x49: {  	_ =	shalt  }
0x4a: {  	_ =	shalt  }
0x4b: {  	_ =	shalt  }
0x4c: {  	_ =	shalt  }
0x4d: {  	_ =	shalt  }
0x4e: {  	_ =	shalt  }
0x4f: {  	_ =	shalt  }
0x50: {  	_ =	shalt  }
0x51: {  	_ =	shalt  }
0x52: {  	_ =	shalt  }
0x53: {  	_ =	shalt  }
0x54: {  	_ =	shalt  }
0x55: {  	_ =	shalt  }
0x56: {  	_ =	shalt  }
0x57: {  	_ =	shalt  }
0x58: {  	_ =	shalt  }
0x59: {  	_ =	shalt  }
0x5a: {  	_ =	shalt  }
0x5b: {  	_ =	shalt  }
0x5c: {  	_ =	shalt  }
0x5d: {  	_ =	shalt  }
0x5e: {  	_ =	shalt  }
0x5f: {  	_ =	shalt  }
0x60: {  	_ =	shalt  }
0x61: {  	_ =	shalt  }
0x62: {  	_ =	shalt  }
0x63: {  	_ =	shalt  }
0x64: {  	_ =	shalt  }
0x65: {  	_ =	shalt  }
0x66: {  	_ =	shalt  }
0x67: {  	_ =	shalt  }
0x68: {  	_ =	shalt  }
0x69: {  	_ =	shalt  }
0x6a: {  	_ =	shalt  }
0x6b: {  	_ =	shalt  }
0x6c: {  	_ =	shalt  }
0x6d: {  	_ =	shalt  }
0x6e: {  	_ =	shalt  }
0x6f: {  	_ =	shalt  }
0x70: {  	_ =	shalt  }
0x71: {  	_ =	shalt  }
0x72: {  	_ =	shalt  }
0x73: {  	_ =	shalt  }
0x74: {  	_ =	shalt  }
0x75: {  	_ =	shalt  }
0x76: {  	_ =	shalt  }
0x77: {  	_ =	shalt  }
0x78: {  	_ =	shalt  }
0x79: {  	_ =	shalt  }
0x7a: {  	_ =	shalt  }
0x7b: {  	_ =	shalt  }
0x7c: {  	_ =	shalt  }
0x7d: {  	_ =	shalt  }
0x7e: {  	_ =	shalt  }
0x7f: {  	_ =	shalt  }
0x80: {  	_ =	shalt  }
0x81: {  	_ =	shalt  }
0x82: {  	_ =	shalt  }
0x83: {  	_ =	shalt  }
0x84: {  	_ =	shalt  }
0x85: {  	_ =	shalt  }
0x86: {  	_ =	shalt  }
0x87: {  	_ =	shalt  }
.Lfunc_end0:
.L_simem_size_0:
called_computation.2_lowered:
.L_overlay_start_0:
0x88: {  	s2 =	sld [smem:$0x3FD9]  }
0x89: {  	s3 =	sld [smem:$0x3FFE];
	_ =	sdelay $0x1  }
0x8a: {  	s1 =	srdreg.scid  }
0x8b: {  	s0 =	sand.u32 $0x1, s1  }
0x8c: {  	s17 =	sshll.u32 s0, $0xA;
	s2 =	sadd.s32 s3, s2  }
0x8d: {  	s2 =	sadd.s32 s2, s17  }
0x8e: {  	[smem:$0x3FB5] =	sst s2  }
0x8f: {  	_ = 	snop  }
0x90: {  	s2 =	sld [smem:$0x3FC8];
	(tm) =	ssettm $0x1  }
0x91: {  	s18 =	sld [smem:$0x3FFB];
	_ =	sdelay $0x3  }
0x92: {  	_ =	strace s18  }
0x93: {  	s3 =	sld [smem:$0x3FFC];
	_ =	sdelay $0x3  }
0x94: {  	_ =	strace s3  }
0x95: {  	s3 =	sld [smem:$0x3FFD];
	_ =	sdelay $0x3  }
0x96: {  	_ =	strace s3  }
0x97: {  	_ =	strace $0x8FFFFFFF  }
0x98: {  	s19 =	sld [smem:$0x3FDB];
	_ =	sdelay $0x1  }
0x99: {  	s4 =	simm.s32 $_scs_section_size  }
0x9a: {  	s5 =	simm.s32 $_size__tile_overlayer_lowered;
	s6 =	simm.s32 $_tile_overlayer_lowered  }
0x9b: {  	s22 =	simm.s32 $0x1BFF;
	s21 =	sshll.u32 s6, $0x1;
	s3 =	sadd.s32 s4, s19  }
0x9c: {  	s7 =	simm.s32 $0x0;
	s20 =	sshll.u32 s5, $0x1;
	s5 =	sadd.s32 s21, s3  }
0x9d: {  	[timem:s7], [sflag:s22] =	dma.local [hbm:s5], s20  }
0x9e: {  	_ =	swait.ge [sflag:s22], s20  }
0x9f: {  	s4 =	ssub.s32 $0x0, s20;
	[sflag:s22] =	ssyncset.done $0x0  }
0xa0: {  	[sflag:s22] =	ssyncadd.s32 s4;
	_ =	sdelay $0x1  }
0xa1: {  	s23 =	simm.s32 $0x1B8B  }
0xa2: {  	_ =	swait.ge [sflag:s23], $0x1  }
0xa3: {  	[sflag:s23] =	ssyncset.done $0x0  }
0xa4: {  	s25 =	simm.s32 $0x1B8E;
	s24 =	sld [smem:$0x3FFE];
	[sflag:s23] =	ssyncadd.s32 $0xFFFFFFFF  }
0xa5: {  	s26 =	simm.s32 $execute0_lowered;
	[smem:$0x3FD2] =	sst s25  }
0xa6: {  	s5 =	sshll.u32 s26, $0x1;
	_ =	strace $0x80000049;
	[dreg:$0x1] =	wrdreg $0xFFFFFFFF  }
0xa7: {  	s28 =	simm.s32 $_size_execute0_lowered;
	s3 =	sadd.s32 s3, s5;
	[dreg:$0x0] =	wrdreg $0x0  }
0xa8: {  	s5 =	sshll.u32 s28, $0x1;
	[dreg:$0x2] =	wrdreg s3  }
0xa9: {  	[dreg:$0x3] =	wrdreg s5  }
0xaa: {  	[dreg:$0x4] =	wrdreg $0xC0  }
0xab: {  	_ =	task [dreg:s7], $0x5FFFF  }
0xac: {  	[dreg:$0x1] =	wrdreg $0xFFFFFFFF  }
0xad: {  	[dreg:$0x0] =	wrdreg $0x60  }
0xae: {  	[dreg:$0x2] =	wrdreg s24  }
0xaf: {  	[dreg:$0x3] =	wrdreg s2  }
0xb0: {  	[dreg:$0x4] =	wrdreg $0xA  }
0xb1: {  	_ =	task.clear_ibuf [dreg:s7], $0x5FFFF;
	_ =	strace $0x90000049  }
0xb2: {  	s29 =	simm.s32 $0xA;
	_ =	strace $0x8000004B  }
0xb3: {  	_ =	swait.ge [sflag:s29], $0x1  }
0xb4: {  	[sflag:s29] =	ssyncadd.s32 $0xFFFFFFFF  }
0xb5: {  	_ =	strace $0x9000004B  }
0xb6: {  	_ =	sfence  }
0xb7: {  	s30 =	sld [smem:$0x0];
	_ =	sdelay $0x2  }
0xb8: {  	s31 =	sshll.u32 s1, $0xD;
	s1 =	sshrl.u32 s1, $0x2  }
0xb9: {  	s3 =	sand.u32 $0x4000, s31;
	s1 =	sadd.s32 s1, s30  }
0xba: {  	s0 =	sor.u32 s3, s0;
	s1 =	sshll.u32 s1, $0x11  }
0xbb: {  	s0 =	sor.u32 s1, s0  }
0xbc: {  	s0 =	sadd.s32 $0x8F2B, s0  }
0xbd: {  	[sflag:s0] =	ssyncadd.remote.s32 $0x1  }
0xbe: {  	_ =	sfence.sel $0xFFFF  }
0xbf: {  	[dreg:$0x0] =	wrdreg $0xFFFFFFFF;
	(pc) =	sbr.abs _section_cstart, $3  }
0xc0: {  	[dreg:$0x1] =	wrdreg $0xFFFFFFFF  }
0xc1: {  	_ =	task.clear_ibuf [dreg:s7], $0x2FFFF;
	_ =	strace $0x9FFFFFFF  }
0xc2: {  	(tm) =	ssettm $0x7FFFFFFF  }
0xc3: {  	_ =	shalt  }
tec
execute0_lowered:
.L_overlay_start_1:
0x0: {  	(tag) =	ssettag $0x1  }
0x1: {  	s0 =	rddreg [dreg:$0x0];
	s2 =	simm.s32 $0x0;
	s1 =	srdreg.scid  }
0x2: {  	s7 =	stileid.u32;
	s15 =	simm.s32 $0x2;
	s16 =	simm.s32 $0x80  }
0x3: {  	s17 =	simm.s32 $0x9880;
	s18 =	simm.s32 $0xA080;
	s19 =	simm.s32 $0xA880  }
0x4: {  	s20 =	simm.s32 $0xB080;
	s21 =	simm.s32 $0xB880;
	s22 =	simm.s32 $0xC080  }
0x5: {  	s23 =	simm.s32 $0xC880;
	s24 =	simm.s32 $0xD080;
	s25 =	simm.s32 $0xD880  }
0x6: {  	s28 =	simm.s32 $0xE880;
	s29 =	simm.s32 $0xF080;
	s30 =	simm.s32 $0xF880  }
0x7: {  	s31 =	simm.s32 $0x1;
	[smem:$0x7FF] =	sst s2;
	s4 =	sadd.s32 $0x104600, s0  }
0x8: {  	s5 =	sadd.s32 $0x400, s0;
	s11 =	sshll.u32 s7, $0x7;
	s7 =	sadd.s32 $0x104800, s0  }
0x9: {  	s1 =	sand.u32 $0x1, s1;
	s8 =	sadd.s32 $0x104900, s0;
	s9 =	sadd.s32 $0x104A00, s0  }
0xa: {  	s10 =	sadd.s32 $0x104B00, s0;
	s12 =	sadd.s32 $0x104C00, s0;
	s3 =	ssub.s32 $0x2, s1  }
0xb: {  	s13 =	sadd.s32 $0x104D00, s0;
	s1 =	sshll.u32 s1, $0x6;
	s6 =	sshrl.u32 s3, $0x1  }
0xc: {  	v2 =	vlaneseq.u32;
	_ =	strace $0x8000004A;
	s11 =	sor.u32 s1, s11;
	s3 =	ssub.s32 s3, s6  }
0xd: {  	vm0 =	vmmov $0xffff;
	v1 =	vshrl.u32 v2, $0x3;
	s1 =	simm.s32 $0x9080;
	s6 =	sadd.s32 $0x104700, s0;
	s26 =	smax.u32 s3, $0x1  }
0xe: {  	v0 =	vand.u32 $0x7, v2;
	v2 =	vor.u32 $0x8, v2;
	v1 =	vmul.u32 $0x8, v1;
	s3 =	simm.s32 $0x0;
	[dreg:$0x3] =	wrdreg s26;
	s26 =	simm.s32 $0xE080  }
.LBB2_1:
0xf: {  	[dreg:$0x4] =	wrdreg s3  }
0x10: {  	p0 =	por $0x1, $0x1;
	s0 =	simm.s32 $0x0;
	s14 =	rddreg [dreg:$0x1]  }
.LBB2_2:
0x11: {  	s0 =	sor.u32 s11, s0  }
0x12: {  	s3 =	sshrl.u32 s0, $0x3  }
0x13: {  	s3 =	sadd.s32 s14, s3  }
0x14: {  	[tilespmem:s2], [sflag:$0x2] =	stream.linear.gather [hbm4b:s3+s2], $0x20, $0x38;
	[tilespmem:$0x10080] =	vst v63  }
0x15: {  	_ =	swait.ge [sflag:s15], $0x20  }
0x16: {  	[sflag:s15] =	ssyncset.done $0x0  }
0x17: {  	[sflag:s15] =	ssyncadd.s32 $0xFFFFFFE0  }
0x18: {  	v3 =	vld [tilespmem:$0x0];
	_ =	sdelay $0x4  }
0x19: {  	v4 =	vshll.u32 v3, $0x4  }
0x1a: {  	v3 =	vand.u32 $0x7, v3;
	v4 =	vand.u32 $0xFFFFFF80, v4  }
0x1b: {  	v3 =	vor.u32 v3, v4  }
0x1c: {  	v4 =	vperm.xlane v3, v0;
	_ =	sdelay $0x1  }
0x1d: {  	v4 =	vadd.s32 v1, v4;
	_ =	sdelay $0x4  }
0x1e: {  	[tilespmem:s16], [sflag:$0x1] =	stream.indirect_vreg.gather [hbm4b:s4+s2], $0x80, v4, vm0, $0xb8;
	[tilespmem:$0x10080] =	vst v63  }
0x1f: {  	s3 =	simm.s32 $0x880  }
0x20: {  	[tilespmem:s3], [sflag:$0x1] =	stream.indirect_vreg.gather [hbm4b:s6+s2], $0x80, v4, vm0, $0xb8;
	[tilespmem:$0x10080] =	vst v63  }
0x21: {  	s3 =	simm.s32 $0x1080  }
0x22: {  	[tilespmem:s3], [sflag:$0x1] =	stream.indirect_vreg.gather [hbm4b:s7+s2], $0x80, v4, vm0, $0xb8;
	[tilespmem:$0x10080] =	vst v63  }
0x23: {  	s3 =	simm.s32 $0x1880  }
0x24: {  	[tilespmem:s3], [sflag:$0x1] =	stream.indirect_vreg.gather [hbm4b:s8+s2], $0x80, v4, vm0, $0xb8;
	[tilespmem:$0x10080] =	vst v63  }
0x25: {  	s3 =	simm.s32 $0x2080  }
0x26: {  	[tilespmem:s3], [sflag:$0x1] =	stream.indirect_vreg.gather [hbm4b:s9+s2], $0x80, v4, vm0, $0xb8;
	[tilespmem:$0x10080] =	vst v63  }
0x27: {  	v3 =	vperm.xlane v3, v2;
	s3 =	simm.s32 $0x2880  }
0x28: {  	[tilespmem:s3], [sflag:$0x1] =	stream.indirect_vreg.gather [hbm4b:s10+s2], $0x80, v4, vm0, $0xb8;
	[tilespmem:$0x10080] =	vst v63  }
0x29: {  	v3 =	vadd.s32 v1, v3;
	s3 =	simm.s32 $0x3080  }
0x2a: {  	[tilespmem:s3], [sflag:$0x1] =	stream.indirect_vreg.gather [hbm4b:s12+s2], $0x80, v4, vm0, $0xb8;
	[tilespmem:$0x10080] =	vst v63  }
0x2b: {  	s3 =	simm.s32 $0x3880  }
0x2c: {  	[tilespmem:s3], [sflag:$0x1] =	stream.indirect_vreg.gather [hbm4b:s13+s2], $0x80, v4, vm0, $0xb8;
	[tilespmem:$0x10080] =	vst v63  }
0x2d: {  	s3 =	simm.s32 $0x4080  }
0x2e: {  	[tilespmem:s3], [sflag:$0x1] =	stream.indirect_vreg.gather [hbm4b:s4+s2], $0x80, v3, vm0, $0xb8;
	[tilespmem:$0x10080] =	vst v63  }
0x2f: {  	s3 =	simm.s32 $0x4880  }
0x30: {  	[tilespmem:s3], [sflag:$0x1] =	stream.indirect_vreg.gather [hbm4b:s6+s2], $0x80, v3, vm0, $0xb8;
	[tilespmem:$0x10080] =	vst v63  }
0x31: {  	s3 =	simm.s32 $0x5080  }
0x32: {  	[tilespmem:s3], [sflag:$0x1] =	stream.indirect_vreg.gather [hbm4b:s7+s2], $0x80, v3, vm0, $0xb8;
	[tilespmem:$0x10080] =	vst v63  }
0x33: {  	s3 =	simm.s32 $0x5880  }
0x34: {  	[tilespmem:s3], [sflag:$0x1] =	stream.indirect_vreg.gather [hbm4b:s8+s2], $0x80, v3, vm0, $0xb8;
	[tilespmem:$0x10080] =	vst v63  }
0x35: {  	s3 =	simm.s32 $0x6080  }
0x36: {  	[tilespmem:s3], [sflag:$0x1] =	stream.indirect_vreg.gather [hbm4b:s9+s2], $0x80, v3, vm0, $0xb8;
	[tilespmem:$0x10080] =	vst v63  }
0x37: {  	s3 =	simm.s32 $0x6880  }
0x38: {  	[tilespmem:s3], [sflag:$0x1] =	stream.indirect_vreg.gather [hbm4b:s10+s2], $0x80, v3, vm0, $0xb8;
	[tilespmem:$0x10080] =	vst v63  }
0x39: {  	s3 =	simm.s32 $0x7080  }
0x3a: {  	[tilespmem:s3], [sflag:$0x1] =	stream.indirect_vreg.gather [hbm4b:s12+s2], $0x80, v3, vm0, $0xb8;
	[tilespmem:$0x10080] =	vst v63  }
0x3b: {  	s3 =	simm.s32 $0x7880  }
0x3c: {  	[tilespmem:s3], [sflag:$0x1] =	stream.indirect_vreg.gather [hbm4b:s13+s2], $0x80, v3, vm0, $0xb8;
	[tilespmem:$0x10080] =	vst v63  }
0x3d: {  	v3 =	vld [tilespmem:$0x10];
	_ =	sdelay $0x4  }
0x3e: {  	v63 =	vshll.u32 v3, $0x4  }
0x3f: {  	v3 =	vand.u32 $0x7, v3;
	v4 =	vand.u32 $0xFFFFFF80, v63  }
0x40: {  	v3 =	vor.u32 v3, v4  }
0x41: {  	v4 =	vperm.xlane v3, v0;
	_ =	sdelay $0x1  }
0x42: {  	v4 =	vadd.s32 v1, v4;
	_ =	sdelay $0x3  }
0x43: {  	s3 =	simm.s32 $0x8080  }
0x44: {  	[tilespmem:s3], [sflag:$0x1] =	stream.indirect_vreg.gather [hbm4b:s4+s2], $0x80, v4, vm0, $0xb8;
	[tilespmem:$0x10080] =	vst v63  }
0x45: {  	s3 =	simm.s32 $0x8880  }
0x46: {  	[tilespmem:s3], [sflag:$0x1] =	stream.indirect_vreg.gather [hbm4b:s6+s2], $0x80, v4, vm0, $0xb8;
	[tilespmem:$0x10080] =	vst v63  }
0x47: {  	_ = 	snop  }
0x48: {  	[tilespmem:s1], [sflag:$0x1] =	stream.indirect_vreg.gather [hbm4b:s7+s2], $0x80, v4, vm0, $0xb8;
	[tilespmem:$0x10080] =	vst v63  }
0x49: {  	_ = 	snop  }
0x4a: {  	[tilespmem:s17], [sflag:$0x1] =	stream.indirect_vreg.gather [hbm4b:s8+s2], $0x80, v4, vm0, $0xb8;
	[tilespmem:$0x10080] =	vst v63  }
0x4b: {  	_ = 	snop  }
0x4c: {  	[tilespmem:s18], [sflag:$0x1] =	stream.indirect_vreg.gather [hbm4b:s9+s2], $0x80, v4, vm0, $0xb8;
	[tilespmem:$0x10080] =	vst v63  }
0x4d: {  	v3 =	vperm.xlane v3, v2  }
0x4e: {  	[tilespmem:s19], [sflag:$0x1] =	stream.indirect_vreg.gather [hbm4b:s10+s2], $0x80, v4, vm0, $0xb8;
	[tilespmem:$0x10080] =	vst v63  }
0x4f: {  	v3 =	vadd.s32 v1, v3  }
0x50: {  	[tilespmem:s20], [sflag:$0x1] =	stream.indirect_vreg.gather [hbm4b:s12+s2], $0x80, v4, vm0, $0xb8;
	[tilespmem:$0x10080] =	vst v63  }
0x51: {  	_ = 	snop  }
0x52: {  	[tilespmem:s21], [sflag:$0x1] =	stream.indirect_vreg.gather [hbm4b:s13+s2], $0x80, v4, vm0, $0xb8;
	[tilespmem:$0x10080] =	vst v63  }
0x53: {  	_ = 	snop  }
0x54: {  	[tilespmem:s22], [sflag:$0x1] =	stream.indirect_vreg.gather [hbm4b:s4+s2], $0x80, v3, vm0, $0xb8;
	[tilespmem:$0x10080] =	vst v63  }
0x55: {  	_ = 	snop  }
0x56: {  	[tilespmem:s23], [sflag:$0x1] =	stream.indirect_vreg.gather [hbm4b:s6+s2], $0x80, v3, vm0, $0xb8;
	[tilespmem:$0x10080] =	vst v63  }
0x57: {  	_ = 	snop  }
0x58: {  	[tilespmem:s24], [sflag:$0x1] =	stream.indirect_vreg.gather [hbm4b:s7+s2], $0x80, v3, vm0, $0xb8;
	[tilespmem:$0x10080] =	vst v63  }
0x59: {  	_ = 	snop  }
0x5a: {  	[tilespmem:s25], [sflag:$0x1] =	stream.indirect_vreg.gather [hbm4b:s8+s2], $0x80, v3, vm0, $0xb8;
	[tilespmem:$0x10080] =	vst v63  }
0x5b: {  	_ = 	snop  }
0x5c: {  	[tilespmem:s26], [sflag:$0x1] =	stream.indirect_vreg.gather [hbm4b:s9+s2], $0x80, v3, vm0, $0xb8;
	[tilespmem:$0x10080] =	vst v63  }
0x5d: {  	_ = 	snop  }
0x5e: {  	[tilespmem:s28], [sflag:$0x1] =	stream.indirect_vreg.gather [hbm4b:s10+s2], $0x80, v3, vm0, $0xb8;
	[tilespmem:$0x10080] =	vst v63  }
0x5f: {  	_ = 	snop  }
0x60: {  	[tilespmem:s29], [sflag:$0x1] =	stream.indirect_vreg.gather [hbm4b:s12+s2], $0x80, v3, vm0, $0xb8;
	[tilespmem:$0x10080] =	vst v63  }
0x61: {  	_ = 	snop  }
0x62: {  	[tilespmem:s30], [sflag:$0x1] =	stream.indirect_vreg.gather [hbm4b:s13+s2], $0x80, v3, vm0, $0xb8;
	[tilespmem:$0x10080] =	vst v63  }
0x63: {  	_ =	swait.ge [sflag:s31], $0x10000  }
0x64: {  	p1 =	por p0, p0;
	s0 =	sshll.u32 s0, $0x8;
	[sflag:s31] =	ssyncset.done $0x0  }
.Ltmp0:
0x65: {  	s0 =	sadd.s32 s5, s0;
	[sflag:s31] =	ssyncadd.s32 $0xFFFF0000;
	(pc) =	sbr.rel @p1 .LBB2_2-.Ltmp0, $4  }
0x66: {  	[hbm4b:s0+s2] =	stream.linear.scatter [tilespmem:s16], [sflag:$0x2], $0x10000, $0x38;
	[tilespmem:$0x10080] =	vst v63  }
0x67: {  	_ =	swait.ge [sflag:s15], $0x10000  }
0x68: {  	[sflag:s15] =	ssyncset.done $0x0  }
0x69: {  	p0 =	por $0x0, $0x0;
	s0 =	simm.s32 $0x20;
	[sflag:s15] =	ssyncadd.s32 $0xFFFF0000  }
0x6a: {  	s3 =	rddreg [dreg:$0x4]  }
0x6b: {  	s0 =	rddreg [dreg:$0x3];
	s3 =	sadd.s32 $0x1, s3  }
0x6c: {  	p0 =	sne.s32 s3, s0  }
.Ltmp1:
0x6d: {  	_ = 	snop;
	(pc) =	sbr.rel @p0 .LBB2_1-.Ltmp1, $1  }
0x6e: {  	_ =	sdelay $0x3  }
0x6f: {  	_ =	sfence.sel $0x180000  }
0x70: {  	[bflag:$0x0] =	sbarrier.arrive $0xFFFF  }
0x71: {  	_ =	strace $0x9000004A  }
0x72: {  	s0 =	stileid.u32;
	[bflag:$0x2] =	sbarrier.arrive $0xFFFF  }
0x73: {  	p0 =	sne.s32 s0, $0x0;
	s0 =	rddreg [dreg:$0x2]  }
0x74: {  	s0 =	sadd.s32 @!p0 $0x100000, s0  }
0x75: {  	[sflag:s0] =	ssyncadd.tile.s32 @!p0 $0x1;
	_ =	shalt  }
.Lfunc_end2:
_tile_overlayer_lowered:
.L_overlay_start_2:
0x76: {  	(tag) =	ssettag $0x2  }
0x77: {  	s0 =	rddreg [dreg:$0x0];
	s2 =	stileid.u32  }
0x78: {  	s1 =	rddreg [dreg:$0x1];
	p0 =	sne.s32 s2, $0x0  }
0x79: {  	s3 =	rddreg [dreg:$0x2];
	[bflag:$0x3] =	sbarrier.arrive $0xFFFF;
	s2 =	simm.s32 @!p0 $0x1C02  }
0x7a: {  	[timem:s3], [sflag:s2] =	dma.local @!p0 [hbm:s0], s1  }
0x7b: {  	s0 =	simm.s32 @!p0 $0x2  }
0x7c: {  	_ =	swait.ge @!p0 [sflag:s0], s1  }
0x7d: {  	s1 =	ssub.s32 @!p0 $0x0, s1;
	[sflag:s0] =	ssyncset.done @!p0 $0x0  }
0x7e: {  	[sflag:s0] =	ssyncadd.s32 @!p0 s1  }
0x7f: {  	[bflag:$0x3] =	sbarrier.arrive $0xFFFF  }
0x80: {  	_ =	shalt  }

// kernel: kernel.7.cloned.1.call-start
scs
__scs_entry_jumppad:
0x0: {  	(pc) =	sbr.rel $0x88, $3  }
0x1: {  	(tag) =	ssettag $0x0;
	lr =	simm.s32 $0x1  }
0x2: {  	[smem:$0x3F8E] =	sst lr;
	_ =	strace $0xD0000000  }
0x3: {  	_ = 	snop  }
0x4: {  	_ = 	snop  }
0x5: {  	_ = 	snop  }
0x6: {  	_ = 	snop  }
0x7: {  	_ = 	snop  }
__scs_overlays_trampoline_lowered:
0x8: {  	[smem:$0x3F9D] =	sst s0  }
0x9: {  	[smem:$0x3F9E] =	sst s1  }
0xa: {  	[smem:$0x3F9F] =	sst s2  }
0xb: {  	[smem:$0x3FA0] =	sst s3  }
0xc: {  	[smem:$0x3FA1] =	sst s4  }
0xd: {  	[smem:$0x3FA2] =	sst s5  }
0xe: {  	[smem:$0x3FA3] =	sst s6  }
0xf: {  	[smem:$0x3FA4] =	sst s7  }
0x10: {  	[smem:$0x3FA5] =	sst s8  }
0x11: {  	[smem:$0x3FA6] =	sst s9;
	s0 =	simm.s32 @!p0 $0x0  }
0x12: {  	s1 =	sld [smem:$0x3F8C];
	s0 =	simm.s32 @p0 $0x1  }
0x13: {  	[smem:$0x3FA7] =	sst s0;
	s0 =	simm.s32 @!p1 $0x0  }
0x14: {  	s2 =	sld [smem:$0x3F8B];
	s0 =	simm.s32 @p1 $0x1  }
0x15: {  	[smem:$0x3FA8] =	sst s0;
	s0 =	simm.s32 @!p2 $0x0  }
0x16: {  	s3 =	sld [smem:$0x3FDB];
	s0 =	simm.s32 @p2 $0x1  }
0x17: {  	s4 =	simm.s32 $0x1BF5;
	[smem:$0x3FAA] =	sst s0  }
0x18: {  	s0 =	sld [smem:$0x3F8D];
	_ =	swait.ge [sflag:s4], $0x0  }
0x19: {  	s7 =	sld [smem:$0x3F8E]  }
0x1a: {  	s8 =	sadd.s32 $0xFFFFE003, lr  }
0x1b: {  	s9 =	sadd.s32 $0xFFFFFEF7, lr;
	s5 =	simm.s32 $0xFFFFFFFF;
	p2 =	slt.u32 s8, $0xFFFFF086  }
0x1c: {  	p1 =	slt.u32 s9, $0xF7A;
	s5 =	simm.s32 @!p2 $0x0  }
0x1d: {  	s5 =	simm.s32 @p1 $0x1;
	p0 =	seq.s32 s7, s2  }
0x1e: {  	s7 =	smul.u32 @!p0 $0xF7A, s2;
	p2 =	seq.s32 @!p0 s5, $0x0  }
0x1f: {  	s9 =	smul.u32 $0xF7A, s1;
	s8 =	simm.s32 @!p0 $0x1BF5;
	p2 =	por !p2, p0  }
0x20: {  	[sflag:s8] =	ssyncset.s32 @!p0 $0xFFFFF086;
	s6 =	sadd.s32 @!p0 s3, s7;
	s7 =	simm.s32 @!p0 $0x108  }
0x21: {  	s3 =	sadd.s32 s3, s9;
	s6 =	sadd.s32 @!p0 $0x88, s6;
	s7 =	simm.s32 @p2 $0x1082  }
0x22: {  	[simem:s7], [sflag:s8] =	dma.local @!p0 [hbm:s6], $0xF7A  }
0x23: {  	s9 =	sor.u32 $0xD0000000, s2;
	s6 =	simm.s32 $0x108;
	_ =	swait.ge @!p0 [sflag:s8], $0x0  }
0x24: {  	s3 =	sadd.s32 $0x88, s3;
	s6 =	simm.s32 @!p1 $0x1082;
	[sflag:s4] =	ssyncset.s32 $0xFFFFF086  }
0x25: {  	[simem:s6], [sflag:s4] =	dma.local [hbm:s3], $0xF7A  }
0x26: {  	[smem:$0x3F8E] =	sst s1;
	(tag) =	ssettag s2;
	_ =	strace s9  }
0x27: {  	s1 =	sld [smem:$0x3F9E]  }
0x28: {  	s2 =	sld [smem:$0x3F9F]  }
0x29: {  	s4 =	sld [smem:$0x3FA1]  }
0x2a: {  	p0 =	seq.s32 s5, $0x0;
	s5 =	sld [smem:$0x3FA2]  }
0x2b: {  	s6 =	sld [smem:$0x3FA3]  }
0x2c: {  	s7 =	sld [smem:$0x3FA4]  }
0x2d: {  	s3 =	simm.s32 $0x108;
	s8 =	sld [smem:$0x3FA5]  }
0x2e: {  	s3 =	simm.s32 @!p0 $0x1082;
	s9 =	sld [smem:$0x3FA6]  }
0x2f: {  	lr =	sadd.s32 s0, s3;
	s0 =	sld [smem:$0x3F9D]  }
0x30: {  	s3 =	sld [smem:$0x3FA0]  }
0x31: {  	[smem:$0x3FA9] =	sst s10  }
0x32: {  	s10 =	sld [smem:$0x3FA7];
	_ =	sdelay $0x3  }
0x33: {  	p0 =	seq.s32 s10, $0x1;
	s10 =	sld [smem:$0x3FA9];
	_ =	sdelay $0x3  }
0x34: {  	[smem:$0x3FA9] =	sst s10  }
0x35: {  	s10 =	sld [smem:$0x3FA8];
	_ =	sdelay $0x3  }
0x36: {  	p1 =	seq.s32 s10, $0x1;
	s10 =	sld [smem:$0x3FA9];
	_ =	sdelay $0x3  }
0x37: {  	[smem:$0x3FA9] =	sst s10  }
0x38: {  	s10 =	sld [smem:$0x3FAA]  }
0x39: {  	_ = 	snop;
	(pc) =	sbr.ind lr, $3  }
0x3a: {  	_ = 	snop  }
0x3b: {  	_ = 	snop  }
0x3c: {  	p2 =	seq.s32 s10, $0x1;
	s10 =	sld [smem:$0x3FA9]  }
0x3d: {  	_ =	shalt  }
0x3e: {  	_ =	shalt  }
0x3f: {  	_ =	shalt  }
0x40: {  	_ =	shalt  }
0x41: {  	_ =	shalt  }
0x42: {  	_ =	shalt  }
0x43: {  	_ =	shalt  }
0x44: {  	_ =	shalt  }
0x45: {  	_ =	shalt  }
0x46: {  	_ =	shalt  }
0x47: {  	_ =	shalt  }
0x48: {  	_ =	shalt  }
0x49: {  	_ =	shalt  }
0x4a: {  	_ =	shalt  }
0x4b: {  	_ =	shalt  }
0x4c: {  	_ =	shalt  }
0x4d: {  	_ =	shalt  }
0x4e: {  	_ =	shalt  }
0x4f: {  	_ =	shalt  }
0x50: {  	_ =	shalt  }
0x51: {  	_ =	shalt  }
0x52: {  	_ =	shalt  }
0x53: {  	_ =	shalt  }
0x54: {  	_ =	shalt  }
0x55: {  	_ =	shalt  }
0x56: {  	_ =	shalt  }
0x57: {  	_ =	shalt  }
0x58: {  	_ =	shalt  }
0x59: {  	_ =	shalt  }
0x5a: {  	_ =	shalt  }
0x5b: {  	_ =	shalt  }
0x5c: {  	_ =	shalt  }
0x5d: {  	_ =	shalt  }
0x5e: {  	_ =	shalt  }
0x5f: {  	_ =	shalt  }
0x60: {  	_ =	shalt  }
0x61: {  	_ =	shalt  }
0x62: {  	_ =	shalt  }
0x63: {  	_ =	shalt  }
0x64: {  	_ =	shalt  }
0x65: {  	_ =	shalt  }
0x66: {  	_ =	shalt  }
0x67: {  	_ =	shalt  }
0x68: {  	_ =	shalt  }
0x69: {  	_ =	shalt  }
0x6a: {  	_ =	shalt  }
0x6b: {  	_ =	shalt  }
0x6c: {  	_ =	shalt  }
0x6d: {  	_ =	shalt  }
0x6e: {  	_ =	shalt  }
0x6f: {  	_ =	shalt  }
0x70: {  	_ =	shalt  }
0x71: {  	_ =	shalt  }
0x72: {  	_ =	shalt  }
0x73: {  	_ =	shalt  }
0x74: {  	_ =	shalt  }
0x75: {  	_ =	shalt  }
0x76: {  	_ =	shalt  }
0x77: {  	_ =	shalt  }
0x78: {  	_ =	shalt  }
0x79: {  	_ =	shalt  }
0x7a: {  	_ =	shalt  }
0x7b: {  	_ =	shalt  }
0x7c: {  	_ =	shalt  }
0x7d: {  	_ =	shalt  }
0x7e: {  	_ =	shalt  }
0x7f: {  	_ =	shalt  }
0x80: {  	_ =	shalt  }
0x81: {  	_ =	shalt  }
0x82: {  	_ =	shalt  }
0x83: {  	_ =	shalt  }
0x84: {  	_ =	shalt  }
0x85: {  	_ =	shalt  }
0x86: {  	_ =	shalt  }
0x87: {  	_ =	shalt  }
.Lfunc_end0:
.L_simem_size_0:
called_computation.1_lowered:
.L_overlay_start_0:
0x88: {  	s2 =	sld [smem:$0x3FD9]  }
0x89: {  	s3 =	sld [smem:$0x3FFE];
	_ =	sdelay $0x1  }
0x8a: {  	s1 =	srdreg.scid  }
0x8b: {  	s0 =	sand.u32 $0x1, s1  }
0x8c: {  	s17 =	sshll.u32 s0, $0xA;
	s2 =	sadd.s32 s3, s2  }
0x8d: {  	s2 =	sadd.s32 s2, s17  }
0x8e: {  	[smem:$0x3FB5] =	sst s2  }
0x8f: {  	_ = 	snop  }
0x90: {  	s2 =	sld [smem:$0x3FC9]  }
0x91: {  	s18 =	sld [smem:$0x3FC7];
	(tm) =	ssettm $0x1  }
0x92: {  	s4 =	sld [smem:$0x3FFB];
	_ =	sdelay $0x3  }
0x93: {  	_ =	strace s4  }
0x94: {  	s4 =	sld [smem:$0x3FFC];
	_ =	sdelay $0x3  }
0x95: {  	_ =	strace s4  }
0x96: {  	s4 =	sld [smem:$0x3FFD];
	_ =	sdelay $0x3  }
0x97: {  	_ =	strace s4  }
0x98: {  	_ =	strace $0x8FFFFFFF  }
0x99: {  	s19 =	sld [smem:$0x3FDB];
	_ =	sdelay $0x1  }
0x9a: {  	s5 =	simm.s32 $_scs_section_size  }
0x9b: {  	s6 =	simm.s32 $_size__tile_overlayer_lowered;
	s7 =	simm.s32 $_tile_overlayer_lowered  }
0x9c: {  	s22 =	simm.s32 $0x1BFF;
	s21 =	sshll.u32 s7, $0x1;
	s4 =	sadd.s32 s5, s19  }
0x9d: {  	s8 =	simm.s32 $0x0;
	s20 =	sshll.u32 s6, $0x1;
	s6 =	sadd.s32 s21, s4  }
0x9e: {  	[timem:s8], [sflag:s22] =	dma.local [hbm:s6], s20  }
0x9f: {  	_ =	swait.ge [sflag:s22], s20  }
0xa0: {  	s5 =	ssub.s32 $0x0, s20;
	[sflag:s22] =	ssyncset.done $0x0  }
0xa1: {  	[sflag:s22] =	ssyncadd.s32 s5;
	_ =	sdelay $0x1  }
0xa2: {  	s23 =	simm.s32 $0x1B8B  }
0xa3: {  	_ =	swait.ge [sflag:s23], $0x1  }
0xa4: {  	[sflag:s23] =	ssyncset.done $0x0  }
0xa5: {  	s25 =	simm.s32 $0x1B8E;
	s24 =	sld [smem:$0x3FFE];
	[sflag:s23] =	ssyncadd.s32 $0xFFFFFFFF  }
0xa6: {  	s26 =	simm.s32 $execute0_lowered;
	[smem:$0x3FD2] =	sst s25  }
0xa7: {  	s6 =	sshll.u32 s26, $0x1;
	_ =	strace $0x80000046;
	[dreg:$0x1] =	wrdreg $0xFFFFFFFF  }
0xa8: {  	s28 =	simm.s32 $_size_execute0_lowered;
	s4 =	sadd.s32 s4, s6;
	[dreg:$0x0] =	wrdreg $0x0  }
0xa9: {  	s6 =	sshll.u32 s28, $0x1;
	[dreg:$0x2] =	wrdreg s4  }
0xaa: {  	[dreg:$0x3] =	wrdreg s6  }
0xab: {  	[dreg:$0x4] =	wrdreg $0xC0  }
0xac: {  	_ =	task [dreg:s8], $0x5FFFF  }
0xad: {  	[dreg:$0x1] =	wrdreg $0xFFFFFFFF  }
0xae: {  	[dreg:$0x0] =	wrdreg $0x60  }
0xaf: {  	[dreg:$0x2] =	wrdreg s18  }
0xb0: {  	[dreg:$0x3] =	wrdreg s2  }
0xb1: {  	[dreg:$0x4] =	wrdreg s24  }
0xb2: {  	[dreg:$0x5] =	wrdreg $0x9  }
0xb3: {  	_ =	task.clear_ibuf [dreg:s8], $0x6FFFF;
	_ =	strace $0x90000046  }
0xb4: {  	s29 =	simm.s32 $0x9;
	_ =	strace $0x80000048  }
0xb5: {  	_ =	swait.ge [sflag:s29], $0x1  }
0xb6: {  	[sflag:s29] =	ssyncadd.s32 $0xFFFFFFFF  }
0xb7: {  	_ =	strace $0x90000048  }
0xb8: {  	_ =	sfence  }
0xb9: {  	s30 =	sld [smem:$0x0];
	_ =	sdelay $0x2  }
0xba: {  	s31 =	sshll.u32 s1, $0xD;
	s1 =	sshrl.u32 s1, $0x2  }
0xbb: {  	s3 =	sand.u32 $0x4000, s31;
	s1 =	sadd.s32 s1, s30  }
0xbc: {  	s0 =	sor.u32 s3, s0;
	s1 =	sshll.u32 s1, $0x11  }
0xbd: {  	s0 =	sor.u32 s1, s0  }
0xbe: {  	s0 =	sadd.s32 $0x8F2B, s0  }
0xbf: {  	[sflag:s0] =	ssyncadd.remote.s32 $0x1  }
0xc0: {  	_ =	sfence.sel $0xFFFF  }
0xc1: {  	[dreg:$0x0] =	wrdreg $0xFFFFFFFF;
	(pc) =	sbr.abs _section_cstart, $3  }
0xc2: {  	[dreg:$0x1] =	wrdreg $0xFFFFFFFF  }
0xc3: {  	_ =	task.clear_ibuf [dreg:s8], $0x2FFFF;
	_ =	strace $0x9FFFFFFF  }
0xc4: {  	(tm) =	ssettm $0x7FFFFFFF  }
0xc5: {  	_ =	shalt  }
tec
execute0_lowered:
.L_overlay_start_1:
0x0: {  	(tag) =	ssettag $0x1  }
0x1: {  	s1 =	rddreg [dreg:$0x0]  }
0x2: {  	s2 =	srdreg.scid;
	s4 =	rddreg [dreg:$0x1]  }
0x3: {  	s0 =	stileid.u32;
	s5 =	rddreg [dreg:$0x2]  }
0x4: {  	s3 =	simm.s32 $0x0;
	s17 =	simm.s32 $0x880;
	s18 =	simm.s32 $0x1080  }
0x5: {  	s19 =	simm.s32 $0x1880;
	s21 =	simm.s32 $0x2080;
	s22 =	simm.s32 $0x2880  }
0x6: {  	s23 =	simm.s32 $0x3080;
	s24 =	simm.s32 $0x3880;
	[smem:$0x7FF] =	sst s3  }
0x7: {  	s8 =	simm.s32 $0x4080;
	_ =	strace $0x80000047;
	[dreg:$0x6] =	wrdreg s17  }
0x8: {  	s25 =	simm.s32 $0x4880;
	s26 =	simm.s32 $0x5080;
	[dreg:$0x7] =	wrdreg s18  }
0x9: {  	s9 =	simm.s32 $0x80;
	s11 =	simm.s32 $0x6080;
	[dreg:$0x8] =	wrdreg s19  }
0xa: {  	s12 =	simm.s32 $0x6880;
	s13 =	simm.s32 $0x7080;
	[dreg:$0x9] =	wrdreg s21  }
0xb: {  	s14 =	simm.s32 $0x7880;
	s15 =	simm.s32 $0x8080;
	[dreg:$0xa] =	wrdreg s22  }
0xc: {  	s28 =	simm.s32 $0xE080;
	s29 =	simm.s32 $0xE880;
	[dreg:$0xb] =	wrdreg s23  }
0xd: {  	s30 =	simm.s32 $0xF080;
	s31 =	simm.s32 $0xF880;
	[dreg:$0xc] =	wrdreg s24  }
0xe: {  	s2 =	sand.u32 $0x1, s2;
	s6 =	sshll.u32 s0, $0x7;
	[dreg:$0xd] =	wrdreg s8  }
0xf: {  	s7 =	sshll.u32 s2, $0x6;
	s2 =	ssub.s32 $0x2, s2;
	[dreg:$0xe] =	wrdreg s25  }
0x10: {  	s8 =	simm.s32 $0x2;
	[dreg:$0xf] =	wrdreg s26;
	s17 =	simm.s32 $0x9080  }
0x11: {  	s18 =	simm.s32 $0x9880;
	s19 =	simm.s32 $0xA080;
	s21 =	simm.s32 $0xB080  }
0x12: {  	s22 =	simm.s32 $0xB880;
	s23 =	simm.s32 $0xC080;
	s24 =	simm.s32 $0xC880  }
0x13: {  	s25 =	simm.s32 $0xD080;
	s26 =	simm.s32 $0xD880;
	s6 =	sor.u32 s7, s6  }
0x14: {  	s20 =	sshrl.u32 s2, $0x1;
	s7 =	sshrl.u32 s6, $0x3;
	s6 =	sshll.u32 s6, $0x7  }
0x15: {  	s2 =	ssub.s32 s2, s20;
	s20 =	simm.s32 $0xA880;
	s4 =	sadd.s32 s4, s7  }
0x16: {  	v2 =	vlaneseq.u32;
	s16 =	sadd.s32 s5, s6;
	s5 =	sadd.s32 $0x200, s1;
	s6 =	sadd.s32 $0x300, s1  }
0x17: {  	vm0 =	vmmov $0xffff;
	v1 =	vshrl.u32 v2, $0x3;
	s7 =	smax.u32 s2, $0x1;
	s2 =	simm.s32 $0x1;
	[dreg:$0x4] =	wrdreg s4  }
0x18: {  	v0 =	vand.u32 $0x7, v2;
	v2 =	vor.u32 $0x8, v2;
	v1 =	vmul.u32 $0x8, v1;
	[dreg:$0x5] =	wrdreg s16;
	s4 =	sadd.s32 $0x100, s1;
	s16 =	simm.s32 $0x8880  }
.LBB2_1:
0x19: {  	s0 =	rddreg [dreg:$0x4]  }
0x1a: {  	[tilespmem:s3], [sflag:$0x2] =	stream.linear.gather [hbm4b:s0+s3], $0x40, $0x38;
	[tilespmem:$0x10080] =	vst v63  }
0x1b: {  	_ =	swait.ge [sflag:s8], $0x40  }
0x1c: {  	[sflag:s8] =	ssyncset.done $0x0  }
0x1d: {  	[sflag:s8] =	ssyncadd.s32 $0xFFFFFFC0  }
0x1e: {  	v3 =	vld [tilespmem:$0x0];
	_ =	sdelay $0x4  }
0x1f: {  	v4 =	vshll.u32 v3, $0x3  }
0x20: {  	v3 =	vand.u32 $0x7, v3;
	v4 =	vand.u32 $0xFFFFFFC0, v4  }
0x21: {  	v3 =	vor.u32 v3, v4  }
0x22: {  	v4 =	vperm.xlane v3, v0;
	_ =	sdelay $0x1  }
0x23: {  	v4 =	vadd.s32 v1, v4;
	_ =	sdelay $0x4  }
0x24: {  	[tilespmem:s9], [sflag:$0x1] =	stream.indirect_vreg.gather [hbm4b:s1+s3], $0x80, v4, vm0, $0xb8;
	[tilespmem:$0x10080] =	vst v63  }
0x25: {  	s0 =	rddreg [dreg:$0x6];
	v3 =	vperm.xlane v3, v2  }
0x26: {  	[tilespmem:s0], [sflag:$0x1] =	stream.indirect_vreg.gather [hbm4b:s4+s3], $0x80, v4, vm0, $0xb8;
	[tilespmem:$0x10080] =	vst v63  }
0x27: {  	s10 =	rddreg [dreg:$0x7];
	v3 =	vadd.s32 v1, v3  }
0x28: {  	[tilespmem:s10], [sflag:$0x1] =	stream.indirect_vreg.gather [hbm4b:s5+s3], $0x80, v4, vm0, $0xb8;
	[tilespmem:$0x10080] =	vst v63  }
0x29: {  	s0 =	rddreg [dreg:$0x8]  }
0x2a: {  	[tilespmem:s0], [sflag:$0x1] =	stream.indirect_vreg.gather [hbm4b:s6+s3], $0x80, v4, vm0, $0xb8;
	[tilespmem:$0x10080] =	vst v63  }
0x2b: {  	s10 =	rddreg [dreg:$0x9]  }
0x2c: {  	[tilespmem:s10], [sflag:$0x1] =	stream.indirect_vreg.gather [hbm4b:s1+s3], $0x80, v3, vm0, $0xb8;
	[tilespmem:$0x10080] =	vst v63  }
0x2d: {  	s0 =	rddreg [dreg:$0xa]  }
0x2e: {  	[tilespmem:s0], [sflag:$0x1] =	stream.indirect_vreg.gather [hbm4b:s4+s3], $0x80, v3, vm0, $0xb8;
	[tilespmem:$0x10080] =	vst v63  }
0x2f: {  	s10 =	rddreg [dreg:$0xb]  }
0x30: {  	[tilespmem:s10], [sflag:$0x1] =	stream.indirect_vreg.gather [hbm4b:s5+s3], $0x80, v3, vm0, $0xb8;
	[tilespmem:$0x10080] =	vst v63  }
0x31: {  	s0 =	rddreg [dreg:$0xc]  }
0x32: {  	[tilespmem:s0], [sflag:$0x1] =	stream.indirect_vreg.gather [hbm4b:s6+s3], $0x80, v3, vm0, $0xb8;
	[tilespmem:$0x10080] =	vst v63  }
0x33: {  	v3 =	vld [tilespmem:$0x10];
	_ =	sdelay $0x4  }
0x34: {  	v61 =	vshll.u32 v3, $0x3  }
0x35: {  	v3 =	vand.u32 $0x7, v3;
	v4 =	vand.u32 $0xFFFFFFC0, v61  }
0x36: {  	v3 =	vor.u32 v3, v4  }
0x37: {  	v4 =	vperm.xlane v3, v0;
	_ =	sdelay $0x1  }
0x38: {  	v4 =	vadd.s32 v1, v4;
	_ =	sdelay $0x3  }
0x39: {  	s0 =	rddreg [dreg:$0xd]  }
0x3a: {  	[tilespmem:s0], [sflag:$0x1] =	stream.indirect_vreg.gather [hbm4b:s1+s3], $0x80, v4, vm0, $0xb8;
	[tilespmem:$0x10080] =	vst v63  }
0x3b: {  	s10 =	rddreg [dreg:$0xe];
	v3 =	vperm.xlane v3, v2  }
0x3c: {  	[tilespmem:s10], [sflag:$0x1] =	stream.indirect_vreg.gather [hbm4b:s4+s3], $0x80, v4, vm0, $0xb8;
	[tilespmem:$0x10080] =	vst v63  }
0x3d: {  	v3 =	vadd.s32 v1, v3;
	s0 =	rddreg [dreg:$0xf]  }
0x3e: {  	[tilespmem:s0], [sflag:$0x1] =	stream.indirect_vreg.gather [hbm4b:s5+s3], $0x80, v4, vm0, $0xb8;
	[tilespmem:$0x10080] =	vst v63  }
0x3f: {  	s10 =	simm.s32 $0x5880  }
0x40: {  	[tilespmem:s10], [sflag:$0x1] =	stream.indirect_vreg.gather [hbm4b:s6+s3], $0x80, v4, vm0, $0xb8;
	[tilespmem:$0x10080] =	vst v63  }
0x41: {  	_ = 	snop  }
0x42: {  	[tilespmem:s11], [sflag:$0x1] =	stream.indirect_vreg.gather [hbm4b:s1+s3], $0x80, v3, vm0, $0xb8;
	[tilespmem:$0x10080] =	vst v63  }
0x43: {  	_ = 	snop  }
0x44: {  	[tilespmem:s12], [sflag:$0x1] =	stream.indirect_vreg.gather [hbm4b:s4+s3], $0x80, v3, vm0, $0xb8;
	[tilespmem:$0x10080] =	vst v63  }
0x45: {  	_ = 	snop  }
0x46: {  	[tilespmem:s13], [sflag:$0x1] =	stream.indirect_vreg.gather [hbm4b:s5+s3], $0x80, v3, vm0, $0xb8;
	[tilespmem:$0x10080] =	vst v63  }
0x47: {  	_ = 	snop  }
0x48: {  	[tilespmem:s14], [sflag:$0x1] =	stream.indirect_vreg.gather [hbm4b:s6+s3], $0x80, v3, vm0, $0xb8;
	[tilespmem:$0x10080] =	vst v63  }
0x49: {  	v3 =	vld [tilespmem:$0x20];
	_ =	sdelay $0x4  }
0x4a: {  	v62 =	vshll.u32 v3, $0x3  }
0x4b: {  	v3 =	vand.u32 $0x7, v3;
	v4 =	vand.u32 $0xFFFFFFC0, v62  }
0x4c: {  	v3 =	vor.u32 v3, v4  }
0x4d: {  	v4 =	vperm.xlane v3, v0;
	_ =	sdelay $0x1  }
0x4e: {  	v4 =	vadd.s32 v1, v4;
	_ =	sdelay $0x4  }
0x4f: {  	[tilespmem:s15], [sflag:$0x1] =	stream.indirect_vreg.gather [hbm4b:s1+s3], $0x80, v4, vm0, $0xb8;
	[tilespmem:$0x10080] =	vst v63  }
0x50: {  	v3 =	vperm.xlane v3, v2  }
0x51: {  	[tilespmem:s16], [sflag:$0x1] =	stream.indirect_vreg.gather [hbm4b:s4+s3], $0x80, v4, vm0, $0xb8;
	[tilespmem:$0x10080] =	vst v63  }
0x52: {  	v3 =	vadd.s32 v1, v3  }
0x53: {  	[tilespmem:s17], [sflag:$0x1] =	stream.indirect_vreg.gather [hbm4b:s5+s3], $0x80, v4, vm0, $0xb8;
	[tilespmem:$0x10080] =	vst v63  }
0x54: {  	_ = 	snop  }
0x55: {  	[tilespmem:s18], [sflag:$0x1] =	stream.indirect_vreg.gather [hbm4b:s6+s3], $0x80, v4, vm0, $0xb8;
	[tilespmem:$0x10080] =	vst v63  }
0x56: {  	_ = 	snop  }
0x57: {  	[tilespmem:s19], [sflag:$0x1] =	stream.indirect_vreg.gather [hbm4b:s1+s3], $0x80, v3, vm0, $0xb8;
	[tilespmem:$0x10080] =	vst v63  }
0x58: {  	_ = 	snop  }
0x59: {  	[tilespmem:s20], [sflag:$0x1] =	stream.indirect_vreg.gather [hbm4b:s4+s3], $0x80, v3, vm0, $0xb8;
	[tilespmem:$0x10080] =	vst v63  }
0x5a: {  	_ = 	snop  }
0x5b: {  	[tilespmem:s21], [sflag:$0x1] =	stream.indirect_vreg.gather [hbm4b:s5+s3], $0x80, v3, vm0, $0xb8;
	[tilespmem:$0x10080] =	vst v63  }
0x5c: {  	_ = 	snop  }
0x5d: {  	[tilespmem:s22], [sflag:$0x1] =	stream.indirect_vreg.gather [hbm4b:s6+s3], $0x80, v3, vm0, $0xb8;
	[tilespmem:$0x10080] =	vst v63  }
0x5e: {  	v3 =	vld [tilespmem:$0x30];
	_ =	sdelay $0x4  }
0x5f: {  	v63 =	vshll.u32 v3, $0x3  }
0x60: {  	v3 =	vand.u32 $0x7, v3;
	v4 =	vand.u32 $0xFFFFFFC0, v63  }
0x61: {  	v3 =	vor.u32 v3, v4  }
0x62: {  	v4 =	vperm.xlane v3, v0;
	_ =	sdelay $0x1  }
0x63: {  	v4 =	vadd.s32 v1, v4;
	_ =	sdelay $0x4  }
0x64: {  	[tilespmem:s23], [sflag:$0x1] =	stream.indirect_vreg.gather [hbm4b:s1+s3], $0x80, v4, vm0, $0xb8;
	[tilespmem:$0x10080] =	vst v63  }
0x65: {  	v3 =	vperm.xlane v3, v2  }
0x66: {  	[tilespmem:s24], [sflag:$0x1] =	stream.indirect_vreg.gather [hbm4b:s4+s3], $0x80, v4, vm0, $0xb8;
	[tilespmem:$0x10080] =	vst v63  }
0x67: {  	v3 =	vadd.s32 v1, v3  }
0x68: {  	[tilespmem:s25], [sflag:$0x1] =	stream.indirect_vreg.gather [hbm4b:s5+s3], $0x80, v4, vm0, $0xb8;
	[tilespmem:$0x10080] =	vst v63  }
0x69: {  	_ = 	snop  }
0x6a: {  	[tilespmem:s26], [sflag:$0x1] =	stream.indirect_vreg.gather [hbm4b:s6+s3], $0x80, v4, vm0, $0xb8;
	[tilespmem:$0x10080] =	vst v63  }
0x6b: {  	_ = 	snop  }
0x6c: {  	[tilespmem:s28], [sflag:$0x1] =	stream.indirect_vreg.gather [hbm4b:s1+s3], $0x80, v3, vm0, $0xb8;
	[tilespmem:$0x10080] =	vst v63  }
0x6d: {  	_ = 	snop  }
0x6e: {  	[tilespmem:s29], [sflag:$0x1] =	stream.indirect_vreg.gather [hbm4b:s4+s3], $0x80, v3, vm0, $0xb8;
	[tilespmem:$0x10080] =	vst v63  }
0x6f: {  	_ = 	snop  }
0x70: {  	[tilespmem:s30], [sflag:$0x1] =	stream.indirect_vreg.gather [hbm4b:s5+s3], $0x80, v3, vm0, $0xb8;
	[tilespmem:$0x10080] =	vst v63  }
0x71: {  	_ = 	snop  }
0x72: {  	[tilespmem:s31], [sflag:$0x1] =	stream.indirect_vreg.gather [hbm4b:s6+s3], $0x80, v3, vm0, $0xb8;
	[tilespmem:$0x10080] =	vst v63  }
0x73: {  	_ =	swait.ge [sflag:s2], $0x10000  }
0x74: {  	p0 =	sne.s32 s7, $0x1;
	[sflag:s2] =	ssyncset.done $0x0  }
.Ltmp0:
0x75: {  	s10 =	rddreg [dreg:$0x5];
	[sflag:s2] =	ssyncadd.s32 $0xFFFF0000;
	(pc) =	sbr.rel @p0 .LBB2_1-.Ltmp0, $4  }
0x76: {  	[hbm4b:s10+s3] =	stream.linear.scatter [tilespmem:s9], [sflag:$0x2], $0x10000, $0x38;
	[tilespmem:$0x10080] =	vst v63  }
0x77: {  	_ =	swait.ge [sflag:s8], $0x10000  }
0x78: {  	[sflag:s8] =	ssyncset.done $0x0  }
0x79: {  	s7 =	sadd.s32 $0xFFFFFFFF, s7;
	[sflag:s8] =	ssyncadd.s32 $0xFFFF0000  }
0x7a: {  	_ =	sfence.sel $0x180000  }
0x7b: {  	[bflag:$0x0] =	sbarrier.arrive $0xFFFF  }
0x7c: {  	_ =	strace $0x90000047  }
0x7d: {  	s0 =	stileid.u32;
	[bflag:$0x2] =	sbarrier.arrive $0xFFFF  }
0x7e: {  	p0 =	sne.s32 s0, $0x0;
	s0 =	rddreg [dreg:$0x3]  }
0x7f: {  	s0 =	sadd.s32 @!p0 $0x100000, s0  }
0x80: {  	[sflag:s0] =	ssyncadd.tile.s32 @!p0 $0x1;
	_ =	shalt  }
.Lfunc_end2:
_tile_overlayer_lowered:
.L_overlay_start_2:
0x81: {  	(tag) =	ssettag $0x2  }
0x82: {  	s0 =	rddreg [dreg:$0x0];
	s2 =	stileid.u32  }
0x83: {  	s1 =	rddreg [dreg:$0x1];
	p0 =	sne.s32 s2, $0x0  }
0x84: {  	s3 =	rddreg [dreg:$0x2];
	[bflag:$0x3] =	sbarrier.arrive $0xFFFF;
	s2 =	simm.s32 @!p0 $0x1C02  }
0x85: {  	[timem:s3], [sflag:s2] =	dma.local @!p0 [hbm:s0], s1  }
0x86: {  	s0 =	simm.s32 @!p0 $0x2  }
0x87: {  	_ =	swait.ge @!p0 [sflag:s0], s1  }
0x88: {  	s1 =	ssub.s32 @!p0 $0x0, s1;
	[sflag:s0] =	ssyncset.done @!p0 $0x0  }
0x89: {  	[sflag:s0] =	ssyncadd.s32 @!p0 s1  }
0x8a: {  	[bflag:$0x3] =	sbarrier.arrive $0xFFFF  }
0x8b: {  	_ =	shalt  }

// kernel: sparse-core-data-format-call.cloned.1.call-start
scs
called_computation_lowered:
.L_overlay_start_0:
0x0: {  	s2 =	sld [smem:$0x3FD9]  }
0x1: {  	s3 =	sld [smem:$0x3FFE];
	_ =	sdelay $0x1  }
0x2: {  	s1 =	srdreg.scid  }
0x3: {  	s0 =	sand.u32 $0x1, s1  }
0x4: {  	s16 =	sshll.u32 s0, $0xA;
	s2 =	sadd.s32 s3, s2  }
0x5: {  	s2 =	sadd.s32 s2, s16  }
0x6: {  	[smem:$0x3FB5] =	sst s2  }
0x7: {  	_ = 	snop  }
0x8: {  	s2 =	sld [smem:$0x3FD0];
	_ =	sdelay $0x2  }
0x9: {  	s17 =	simm.s32 $0xB;
	s4 =	simm.s32 $0x10  }
0xa: {  	[smem:s4], [sflag:s17] =	dma.local [hbm:s2], $0x1  }
0xb: {  	_ =	swait.eq [sflag:s17], $0x1  }
0xc: {  	[sflag:s17] =	ssyncset.done $0x0  }
0xd: {  	[sflag:s17] =	ssyncadd.s32 $0xFFFFFFFF  }
0xe: {  	s18 =	sld [smem:$0x11];
	(tm) =	ssettm $0x1  }
0xf: {  	s19 =	sld [smem:$0x3FFB];
	_ =	sdelay $0x3  }
0x10: {  	_ =	strace s19  }
0x11: {  	s2 =	sld [smem:$0x3FFC];
	_ =	sdelay $0x3  }
0x12: {  	_ =	strace s2  }
0x13: {  	s2 =	sld [smem:$0x3FFD];
	_ =	sdelay $0x3  }
0x14: {  	_ =	strace s2  }
0x15: {  	_ =	strace $0x8FFFFFFF  }
0x16: {  	s20 =	sld [smem:$0x3FDB];
	_ =	sdelay $0x1  }
0x17: {  	s21 =	simm.s32 $_scs_section_size  }
0x18: {  	s5 =	simm.s32 $_size__tile_overlayer_lowered;
	s6 =	simm.s32 $_tile_overlayer_lowered  }
0x19: {  	s7 =	simm.s32 $0x1BFF;
	s22 =	sshll.u32 s6, $0x1;
	s4 =	sadd.s32 s21, s20  }
0x1a: {  	s23 =	simm.s32 $0x0;
	s5 =	sshll.u32 s5, $0x1;
	s6 =	sadd.s32 s22, s4  }
0x1b: {  	[timem:s23], [sflag:s7] =	dma.local [hbm:s6], s5  }
0x1c: {  	_ =	swait.ge [sflag:s7], s5  }
0x1d: {  	s5 =	ssub.s32 $0x0, s5;
	[sflag:s7] =	ssyncset.done $0x0  }
0x1e: {  	[sflag:s7] =	ssyncadd.s32 s5;
	_ =	sdelay $0x1  }
0x1f: {  	s24 =	simm.s32 $0x1B8B  }
0x20: {  	_ =	swait.ge [sflag:s24], $0x1  }
0x21: {  	[sflag:s24] =	ssyncset.done $0x0  }
0x22: {  	[sflag:s24] =	ssyncadd.s32 $0xFFFFFFFF  }
0x23: {  	s5 =	sld [smem:$0x0]  }
0x24: {  	s6 =	sand.u32 $0xFFFFFFFE, s1  }
0x25: {  	p0 =	sne.s32 s1, s6  }
0x26: {  	s6 =	sshll.u32 @p0 s6, $0xE  }
0x27: {  	s6 =	sadd.s32 @p0 $0x11B8D, s6;
	s7 =	sshll.u32 @p0 s5, $0x11  }
0x28: {  	s6 =	sor.u32 @p0 s7, s6  }
0x29: {  	[sflag:s6] =	ssyncadd.remote.s32 @p0 $0x1;
	_ =	sdelay $0x1  }
0x2a: {  	s6 =	simm.s32 @p0 $0x1B8D  }
0x2b: {  	_ =	swait.eq @p0 [sflag:s6], $0x1  }
0x2c: {  	[sflag:s6] =	ssyncadd.s32 @p0 $0xFFFFFFFF  }
0x2d: {  	s7 =	sshll.u32 @!p0 s1, $0xE  }
0x2e: {  	s7 =	sor.u32 @!p0 $0x4000, s7;
	s6 =	simm.s32 @!p0 $0x1B8D  }
0x2f: {  	s5 =	sshll.u32 @!p0 s5, $0x11;
	s7 =	sadd.s32 @!p0 $0x11B8D, s7;
	_ =	swait.eq @!p0 [sflag:s6], $0x1  }
0x30: {  	s5 =	sor.u32 @!p0 s5, s7;
	[sflag:s6] =	ssyncadd.s32 @!p0 $0xFFFFFFFF  }
0x31: {  	s26 =	simm.s32 $0x1B8E;
	s25 =	sld [smem:$0x3FFE];
	[sflag:s5] =	ssyncadd.remote.s32 @!p0 $0x1  }
0x32: {  	s27 =	simm.s32 $execute0_lowered;
	[smem:$0x3FD2] =	sst s26  }
0x33: {  	s6 =	sshll.u32 s27, $0x1;
	_ =	strace $0x8000004C;
	[dreg:$0x1] =	wrdreg $0xFFFFFFFF  }
0x34: {  	s28 =	simm.s32 $_size_execute0_lowered;
	s4 =	sadd.s32 s4, s6;
	[dreg:$0x0] =	wrdreg $0x0  }
0x35: {  	s6 =	sshll.u32 s28, $0x1;
	[dreg:$0x2] =	wrdreg s4  }
0x36: {  	[dreg:$0x3] =	wrdreg s6  }
0x37: {  	[dreg:$0x4] =	wrdreg $0xC0  }
0x38: {  	_ =	task [dreg:s23], $0x5FFFF  }
0x39: {  	[dreg:$0x1] =	wrdreg $0xFFFFFFFF  }
0x3a: {  	[dreg:$0x0] =	wrdreg $0x60  }
0x3b: {  	[dreg:$0x2] =	wrdreg s25  }
0x3c: {  	[dreg:$0x3] =	wrdreg s18  }
0x3d: {  	[dreg:$0x4] =	wrdreg $0x9  }
0x3e: {  	_ =	task.clear_ibuf [dreg:s23], $0x5FFFF;
	_ =	strace $0x9000004C  }
0x3f: {  	s29 =	simm.s32 $0x9;
	_ =	strace $0x8000004E  }
0x40: {  	_ =	swait.ge [sflag:s29], $0x1  }
0x41: {  	[sflag:s29] =	ssyncadd.s32 $0xFFFFFFFF  }
0x42: {  	_ =	strace $0x9000004E  }
0x43: {  	_ =	sfence  }
0x44: {  	s30 =	sld [smem:$0x0];
	_ =	sdelay $0x2  }
0x45: {  	s31 =	sshll.u32 s1, $0xD;
	s1 =	sshrl.u32 s1, $0x2  }
0x46: {  	s4 =	sand.u32 $0x4000, s31;
	s1 =	sadd.s32 s1, s30  }
0x47: {  	s0 =	sor.u32 s4, s0;
	s1 =	sshll.u32 s1, $0x11  }
0x48: {  	s0 =	sor.u32 s1, s0  }
0x49: {  	s0 =	sadd.s32 $0x8F2B, s0  }
0x4a: {  	[sflag:s0] =	ssyncadd.remote.s32 $0x1  }
0x4b: {  	_ =	sfence.sel $0xFFFF  }
0x4c: {  	[dreg:$0x0] =	wrdreg $0xFFFFFFFF;
	(pc) =	sbr.abs _section_cstart, $3  }
0x4d: {  	[dreg:$0x1] =	wrdreg $0xFFFFFFFF  }
0x4e: {  	_ =	task.clear_ibuf [dreg:s23], $0x2FFFF;
	_ =	strace $0x9FFFFFFF  }
0x4f: {  	(tm) =	ssettm $0x7FFFFFFF  }
tec
execute0_lowered:
.L_overlay_start_1:
0x0: {  	(tag) =	ssettag $0x1  }
0x1: {  	s0 =	srdreg.scid;
	s5 =	rddreg [dreg:$0x0]  }
0x2: {  	s2 =	rddreg [dreg:$0x1];
	s1 =	stileid.u32  }
0x3: {  	s4 =	simm.s32 $0x1;
	s6 =	simm.s32 $0x2;
	s0 =	sshll.u32 s0, $0x4  }
0x4: {  	s8 =	simm.s32 $0x0;
	s9 =	simm.s32 $0x0;
	s3 =	sand.u32 $0x10, s0  }
.Ltmp0:
0x5: {  	s13 =	simm.s32 $0x0;
	s3 =	sor.u32 s1, s3;
	(pc) =	sbr.rel .LBB1_1-.Ltmp0, $4  }
0x6: {  	s0 =	rddreg [dreg:$0x2];
	_ =	strace $0x8000004D;
	s3 =	sshll.u32 s3, $0x3  }
0x7: {  	s10 =	simm.s32 $0x0;
	[sflag:s4] =	ssyncpa.u1 $0x0;
	s7 =	ssub.s32 $0xC458, s3  }
0x8: {  	s12 =	simm.s32 $0x0;
	[sflag:s6] =	ssyncpa.u1 $0x0;
	s6 =	sshrl.u32 s7, $0x8  }
0x9: {  	s5 =	sadd.s32 $0x104600, s5;
	s11 =	smov.u32 s3;
	s7 =	sadd.s32 $0x2, s6  }
.LBB1_7:
0xa: {  	p0 =	slt.u32 s12, $0x2  }
0xb: {  	p1 =	sgt.s32 @!p0 s13, $0xC451  }
0xc: {  	s14 =	smov.u32 s13;
	s15 =	sshra.s32 @!p0 s13, $0x1F;
	p1 =	por !p1, p0  }
0xd: {  	s13 =	sand.u32 @!p0 s15, s13;
	s14 =	simm.s32 @p1 $0xC451  }
0xe: {  	s13 =	ssub.s32 @!p0 s14, s13  }
0xf: {  	s13 =	sadd.s32 @!p0 $0xFFFF3BAF, s13  }
0x10: {  	s14 =	sshll.u32 @!p0 s13, $0xB  }
0x11: {  	p1 =	sgt.s32 @!p0 s13, $0x7;
	s13 =	ssub.s32 @!p0 $0x4000, s14  }
0x12: {  	s15 =	sadd.s32 $0x100, s11;
	p1 =	por !p1, p0;
	s13 =	sand.u32 @!p0 $0x3FFFF800, s13  }
0x13: {  	s13 =	simm.s32 @!p1 $0x0;
	p1 =	sgt.s32 s15, $0xC458  }
0x14: {  	s15 =	smov.u32 @p1 s3;
	p1 =	sne.s32 s12, s7  }
.Ltmp1:
0x15: {  	_ = 	snop;
	(pc) =	sbr.rel @!p1 .LBB1_8-.Ltmp1, $4  }
0x16: {  	s14 =	simm.s32 @!p0 $0x2  }
0x17: {  	s9 =	sadd.s32 $0x4000, s9;
	_ =	swait.ge @!p0 [sflag:s14], s13;
	s16 =	ssub.s32 @!p0 $0x0, s13  }
0x18: {  	s13 =	smov.u32 s10;
	s12 =	sadd.s32 $0x1, s12;
	[sflag:s14] =	ssyncset.done @!p0 $0x0  }
0x19: {  	s10 =	smov.u32 s11;
	s11 =	smov.u32 s15;
	[sflag:s14] =	ssyncadd.s32 @!p0 s16  }
.LBB1_1:
0x1a: {  	p0 =	sgt.u32 s12, s6  }
0x1b: {  	s14 =	sand.u32 @!p0 $0x1FFFF8, s11  }
0x1c: {  	s15 =	smulhi.u32 @!p0 $0x29B753, s14;
	_ =	sdelay $0x1  }
0x1d: {  	s15 =	sshrl.u32 @!p0 s15, $0x5  }
0x1e: {  	s15 =	smul.u32 @!p0 $0xC460, s15  }
0x1f: {  	s16 =	sshll.u32 @!p0 s11, $0x4  }
0x20: {  	s16 =	sand.u32 @!p0 $0x70, s16;
	s14 =	ssub.s32 @!p0 s14, s15;
	s15 =	sxor.u32 @!p0 $0xFFFFFFFF, s12  }
0x21: {  	s16 =	sadd.s32 @!p0 s5, s16;
	s15 =	sshll.u32 @!p0 s15, $0xE;
	s14 =	sshll.u32 @!p0 s14, $0x8  }
0x22: {  	s15 =	sand.u32 @!p0 $0x4000, s15;
	s14 =	sadd.s32 @!p0 s14, s16;
	s16 =	simm.s32 @!p0 $0x0  }
0x23: {  	[tilespmem:s15], [sflag:$0x1] =	stream.linear.gather @!p0 [hbm4b:s14+s16], $0x4000, $0x38;
	[tilespmem:$0x10000] =	vst v63  }
0x24: {  	p0 =	seq.s32 s12, $0x0  }
0x25: {  	p1 =	sge.u32 @!p0 s12, s7  }
0x26: {  	p0 =	por p0, p1  }
.Ltmp2:
0x27: {  	_ = 	snop;
	(pc) =	sbr.rel @p0 .LBB1_7-.Ltmp2, $1  }
0x28: {  	_ =	sdelay $0x3  }
0x29: {  	s14 =	sand.u32 $0x4000, s9  }
0x2a: {  	_ =	swait.ge [sflag:s4], $0x4000;
	s17 =	sshll.u32 s12, $0xE;
	s15 =	sor.u32 $0x8100, s14  }
0x2b: {  	s16 =	sor.u32 $0x800, s14;
	[sflag:s4] =	ssyncset.done $0x0;
	s31 =	sand.u32 $0x4000, s17  }
0x2c: {  	s17 =	simm.s32 $0x0;
	[sflag:s4] =	ssyncadd.s32 $0xFFFFC000;
	s14 =	sor.u32 $0x8000, s31  }
.LBB1_3:
0x2d: {  	v0 =	vld [tilespmem:s16+$0x470]  }
0x2e: {  	v1 =	vld [tilespmem:s16+$0xFFFFF810]  }
0x2f: {  	v2 =	vld [tilespmem:s16+$0xFFFFF820]  }
0x30: {  	v3 =	vld [tilespmem:s16+$0xFFFFF830]  }
0x31: {  	v4 =	vld [tilespmem:s16+$0xFFFFF840]  }
0x32: {  	v5 =	vld [tilespmem:s16+$0xFFFFF850];
	[tilespmem:s15+$0xF0] =	vst v0  }
0x33: {  	[tilespmem:s15+$0xFFFFFF10] =	vst v1;
	v0 =	vld [tilespmem:s16+$0xFFFFF860]  }
0x34: {  	[tilespmem:s15+$0xFFFFFF20] =	vst v2;
	v1 =	vld [tilespmem:s16+$0xFFFFF870]  }
0x35: {  	[tilespmem:s15+$0xFFFFFF30] =	vst v3;
	v2 =	vld [tilespmem:s16+$0xFFFFFC00]  }
0x36: {  	[tilespmem:s15+$0xFFFFFF40] =	vst v4;
	v3 =	vld [tilespmem:s16+$0xFFFFFC10]  }
0x37: {  	[tilespmem:s15+$0xFFFFFF50] =	vst v5;
	v4 =	vld [tilespmem:s16+$0xFFFFFC20]  }
0x38: {  	v5 =	vld [tilespmem:s16+$0x420];
	[tilespmem:s15+$0xFFFFFF60] =	vst v0  }
0x39: {  	v0 =	vld [tilespmem:s16+$0xFFFFFC30];
	[tilespmem:s15+$0xFFFFFF70] =	vst v1  }
0x3a: {  	v1 =	vld [tilespmem:s16+$0xFFFFFC40];
	[tilespmem:s15+$0xFFFFFF80] =	vst v2  }
0x3b: {  	[tilespmem:s15+$0xFFFFFF90] =	vst v3;
	v3 =	vld [tilespmem:s16+$0xFFFFFC60]  }
0x3c: {  	[tilespmem:s15+$0xFFFFFFA0] =	vst v4;
	v4 =	vld [tilespmem:s16+$0xFFFFFC70]  }
0x3d: {  	v2 =	vld [tilespmem:s16+$0xFFFFFC50];
	[tilespmem:s15+$0xA0] =	vst v5  }
0x3e: {  	[tilespmem:s15+$0xFFFFFFB0] =	vst v0;
	v0 =	vld [tilespmem:s16+$0x0]  }
0x3f: {  	[tilespmem:s15+$0xFFFFFFC0] =	vst v1;
	v1 =	vld [tilespmem:s16+$0x10]  }
0x40: {  	[tilespmem:s15+$0xFFFFFFE0] =	vst v3;
	v3 =	vld [tilespmem:s16+$0x30]  }
0x41: {  	[tilespmem:s15+$0xFFFFFFF0] =	vst v4;
	v4 =	vld [tilespmem:s16+$0x40]  }
0x42: {  	[tilespmem:s15+$0xFFFFFFD0] =	vst v2;
	v2 =	vld [tilespmem:s16+$0x20]  }
0x43: {  	[tilespmem:s15+$0x0] =	vst v0;
	v0 =	vld [tilespmem:s16+$0x50]  }
0x44: {  	[tilespmem:s15+$0x10] =	vst v1;
	v1 =	vld [tilespmem:s16+$0x60]  }
0x45: {  	[tilespmem:s15+$0x30] =	vst v3;
	v3 =	vld [tilespmem:s16+$0x400]  }
0x46: {  	[tilespmem:s15+$0x40] =	vst v4;
	v4 =	vld [tilespmem:s16+$0x410]  }
0x47: {  	[tilespmem:s15+$0x20] =	vst v2;
	v2 =	vld [tilespmem:s16+$0x70]  }
0x48: {  	[tilespmem:s15+$0x50] =	vst v0;
	v0 =	vld [tilespmem:s16+$0x430]  }
0x49: {  	[tilespmem:s15+$0x60] =	vst v1;
	v1 =	vld [tilespmem:s16+$0x440]  }
0x4a: {  	[tilespmem:s15+$0x80] =	vst v3;
	v3 =	vld [tilespmem:s16+$0x450]  }
0x4b: {  	[tilespmem:s15+$0x90] =	vst v4;
	v4 =	vld [tilespmem:s16+$0x460]  }
0x4c: {  	s19 =	simm.s32 $0x0;
	s20 =	sadd.s32 $0x1000, s16;
	s18 =	smov.u32 s15;
	[tilespmem:s15+$0x70] =	vst v2;
	v2 =	vld [tilespmem:s16+$0xFFFFF800]  }
.LBB1_4:
0x4d: {  	v5 =	vld [tilespmem:s20+$0x470];
	s19 =	sadd.s32 $0x200, s19;
	[tilespmem:s18+$0xB0] =	vst v0  }
0x4e: {  	v0 =	vld [tilespmem:s20+$0xFFFFF810];
	p0 =	slt.u32 s19, $0x600;
	[tilespmem:s18+$0xC0] =	vst v1  }
0x4f: {  	v1 =	vld [tilespmem:s20+$0xFFFFF820];
	[tilespmem:s18+$0xD0] =	vst v3  }
0x50: {  	v3 =	vld [tilespmem:s20+$0xFFFFF830];
	[tilespmem:s18+$0xE0] =	vst v4  }
0x51: {  	v4 =	vld [tilespmem:s20+$0xFFFFF840];
	[tilespmem:s18+$0xFFFFFF00] =	vst v2;
	s18 =	sadd.s32 $0x200, s18  }
0x52: {  	v2 =	vld [tilespmem:s20+$0xFFFFF850];
	[tilespmem:s18+$0xF0] =	vst v5  }
0x53: {  	[tilespmem:s18+$0xFFFFFF10] =	vst v0;
	v0 =	vld [tilespmem:s20+$0xFFFFF860]  }
0x54: {  	[tilespmem:s18+$0xFFFFFF20] =	vst v1;
	v1 =	vld [tilespmem:s20+$0xFFFFF870]  }
0x55: {  	[tilespmem:s18+$0xFFFFFF30] =	vst v3;
	v3 =	vld [tilespmem:s20+$0xFFFFFC00]  }
0x56: {  	[tilespmem:s18+$0xFFFFFF40] =	vst v4;
	v4 =	vld [tilespmem:s20+$0xFFFFFC10]  }
0x57: {  	[tilespmem:s18+$0xFFFFFF50] =	vst v2;
	v2 =	vld [tilespmem:s20+$0xFFFFFC20]  }
0x58: {  	[tilespmem:s18+$0xFFFFFF60] =	vst v0;
	v0 =	vld [tilespmem:s20+$0xFFFFFC30]  }
0x59: {  	[tilespmem:s18+$0xFFFFFF70] =	vst v1;
	v1 =	vld [tilespmem:s20+$0xFFFFFC40]  }
0x5a: {  	[tilespmem:s18+$0xFFFFFF80] =	vst v3;
	v3 =	vld [tilespmem:s20+$0xFFFFFC50]  }
0x5b: {  	[tilespmem:s18+$0xFFFFFF90] =	vst v4;
	v4 =	vld [tilespmem:s20+$0xFFFFFC60]  }
0x5c: {  	[tilespmem:s18+$0xFFFFFFA0] =	vst v2;
	v2 =	vld [tilespmem:s20+$0xFFFFFC70]  }
0x5d: {  	[tilespmem:s18+$0xFFFFFFB0] =	vst v0;
	v0 =	vld [tilespmem:s20+$0x0]  }
0x5e: {  	[tilespmem:s18+$0xFFFFFFC0] =	vst v1;
	v1 =	vld [tilespmem:s20+$0x10]  }
0x5f: {  	[tilespmem:s18+$0xFFFFFFD0] =	vst v3;
	v3 =	vld [tilespmem:s20+$0x20]  }
0x60: {  	[tilespmem:s18+$0xFFFFFFE0] =	vst v4;
	v4 =	vld [tilespmem:s20+$0x30]  }
0x61: {  	[tilespmem:s18+$0xFFFFFFF0] =	vst v2;
	v2 =	vld [tilespmem:s20+$0x40]  }
0x62: {  	[tilespmem:s18+$0x0] =	vst v0;
	v0 =	vld [tilespmem:s20+$0x50]  }
0x63: {  	[tilespmem:s18+$0x10] =	vst v1;
	v1 =	vld [tilespmem:s20+$0x60]  }
0x64: {  	[tilespmem:s18+$0x20] =	vst v3;
	v3 =	vld [tilespmem:s20+$0x70]  }
0x65: {  	[tilespmem:s18+$0x30] =	vst v4;
	v4 =	vld [tilespmem:s20+$0x400]  }
0x66: {  	[tilespmem:s18+$0x40] =	vst v2;
	v2 =	vld [tilespmem:s20+$0x410]  }
0x67: {  	[tilespmem:s18+$0x50] =	vst v0;
	v5 =	vld [tilespmem:s20+$0x420]  }
.Ltmp3:
0x68: {  	[tilespmem:s18+$0x60] =	vst v1;
	v0 =	vld [tilespmem:s20+$0x430];
	(pc) =	sbr.rel @p0 .LBB1_4-.Ltmp3, $4  }
0x69: {  	[tilespmem:s18+$0x70] =	vst v3;
	v1 =	vld [tilespmem:s20+$0x440]  }
0x6a: {  	[tilespmem:s18+$0x80] =	vst v4;
	v3 =	vld [tilespmem:s20+$0x450]  }
0x6b: {  	[tilespmem:s18+$0x90] =	vst v2;
	v4 =	vld [tilespmem:s20+$0x460]  }
0x6c: {  	v2 =	vld [tilespmem:s20+$0xFFFFF800];
	[tilespmem:s18+$0xA0] =	vst v5;
	s20 =	sadd.s32 $0x1000, s20  }
0x6d: {  	s17 =	sadd.s32 $0x1, s17  }
0x6e: {  	p0 =	sne.s32 s17, $0x8  }
.Ltmp4:
0x6f: {  	[tilespmem:s18+$0xB0] =	vst v0;
	(pc) =	sbr.rel @p0 .LBB1_3-.Ltmp4, $4  }
0x70: {  	[tilespmem:s18+$0xC0] =	vst v1  }
0x71: {  	[tilespmem:s18+$0xD0] =	vst v3  }
0x72: {  	[tilespmem:s18+$0xE0] =	vst v4  }
0x73: {  	s15 =	sadd.s32 $0x800, s15;
	s16 =	sadd.s32 $0x80, s16;
	[tilespmem:s18+$0xFFFFFF00] =	vst v2  }
0x74: {  	p0 =	sgt.s32 s10, $0xC451;
	s15 =	smov.u32 s10;
	s16 =	sshra.s32 s10, $0x1F  }
0x75: {  	s15 =	simm.s32 @!p0 $0xC451;
	s16 =	sand.u32 s16, s10  }
0x76: {  	s15 =	ssub.s32 s15, s16  }
0x77: {  	s15 =	sadd.s32 $0xFFFF3BAF, s15  }
.Ltmp5:
0x78: {  	s30 =	sshll.u32 s15, $0xB;
	(pc) =	sbr.rel .LBB1_7-.Ltmp5, $4  }
0x79: {  	s16 =	ssub.s32 $0x4000, s30  }
0x7a: {  	s31 =	sshll.u32 s10, $0x8;
	p0 =	sgt.s32 s15, $0x7;
	s15 =	sand.u32 $0x3FFFF800, s16  }
0x7b: {  	s16 =	sadd.s32 s2, s31;
	s15 =	simm.s32 @p0 $0x0  }
0x7c: {  	[hbm4b:s16+s8] =	stream.linear.scatter [tilespmem:s14], [sflag:$0x2], s15, $0x38;
	[tilespmem:$0x10000] =	vst v63  }
.LBB1_8:
0x7d: {  	_ =	sfence.sel $0x180000  }
0x7e: {  	s2 =	simm.s32 $0x1;
	[bflag:$0x0] =	sbarrier.arrive $0xFFFF  }
0x7f: {  	s31 =	simm.s32 $0x2;
	[sflag:s2] =	ssyncpa.u1 $0x1  }
0x80: {  	[sflag:s31] =	ssyncpa.u1 $0x1  }
0x81: {  	p0 =	sne.s32 s1, $0x0;
	_ =	strace $0x9000004D  }
0x82: {  	s0 =	sadd.s32 @!p0 $0x100000, s0;
	[bflag:$0x2] =	sbarrier.arrive $0xFFFF  }
0x83: {  	[sflag:s0] =	ssyncadd.tile.s32 @!p0 $0x1;
	_ =	shalt  }
.Lfunc_end1:
_tile_overlayer_lowered:
.L_overlay_start_2:
0x84: {  	(tag) =	ssettag $0x2  }
0x85: {  	s0 =	rddreg [dreg:$0x0];
	s2 =	stileid.u32  }
0x86: {  	s1 =	rddreg [dreg:$0x1];
	p0 =	sne.s32 s2, $0x0  }
0x87: {  	s3 =	rddreg [dreg:$0x2];
	[bflag:$0x3] =	sbarrier.arrive $0xFFFF;
	s2 =	simm.s32 @!p0 $0x1C01  }
0x88: {  	[timem:s3], [sflag:s2] =	dma.local @!p0 [hbm:s0], s1  }
0x89: {  	s0 =	simm.s32 @!p0 $0x1  }
0x8a: {  	_ =	swait.ge @!p0 [sflag:s0], s1  }
0x8b: {  	s1 =	ssub.s32 @!p0 $0x0, s1;
	[sflag:s0] =	ssyncset.done @!p0 $0x0  }
0x8c: {  	[sflag:s0] =	ssyncadd.s32 @!p0 s1  }
0x8d: {  	[bflag:$0x3] =	sbarrier.arrive $0xFFFF  }
0x8e: {  	_ =	shalt  }

</sc_bundles>
